<compile_context>
chip_gen: v7x
topology: tpu7x:2x2x1
jax: 0.10.2.dev20260603
libtpu: 0.0.44.dev20260713+nightly
codegen_flags: <defaults>
</compile_context>

<pallas_src>
import functools

import jax
import jax.numpy as jnp
from jax import lax
from jax.experimental import pallas as pl
from jax.experimental.pallas import tpu as pltpu
from jax.experimental.pallas import tpu_sc as plsc

N = 10000
E = 320000
FIN = 128
HID = 128
LZ = 32
LT = 64
THID = 256

NROW = 10240
EPAD = 327680
NW = 32
CHUNK = 128
CPT = EPAD // (NW * CHUNK)
RPT = NROW // 16
ZROWS = 64

def _deg_body(dst_hbm, out_hbm, ones, didx, ssem, hist):
    cid = lax.axis_index("c")
    sid = lax.axis_index("s")
    wid = sid * 2 + cid
    zero16 = jnp.zeros((16,), jnp.float32)
    ones16 = jnp.ones((16,), jnp.float32)
    base = sid * RPT

    pltpu.sync_copy(dst_hbm.at[pl.ds(wid * CPT, CPT)], didx)

    def _z(k, _):
        ones[k // (FIN // 16), pl.ds((k % (FIN // 16)) * 16, 16)] = zero16
        return 0

    lax.fori_loop(0, CHUNK * (FIN // 16), _z, 0)

    def _zc(k, _):
        pltpu.sync_copy(ones, hist.at[pl.ds(base + k * CHUNK, CHUNK)])
        return 0

    lax.fori_loop(0, RPT // CHUNK, _zc, 0)

    def _o(k, _):
        ones[k // (FIN // 16), pl.ds((k % (FIN // 16)) * 16, 16)] = ones16
        return 0

    lax.fori_loop(0, CHUNK * (FIN // 16), _o, 0)
    plsc.subcore_barrier()

    def _e(c, _):
        pltpu.async_copy(ones, hist.at[didx.at[c]], ssem, add=True)
        return 0

    lax.fori_loop(0, CPT, _e, 0)

    def _w(c, _):
        pltpu.make_async_copy(ones, hist.at[didx.at[c]], ssem).wait()
        return 0

    lax.fori_loop(0, CPT, _w, 0)
    plsc.subcore_barrier()
    pltpu.sync_copy(hist.at[pl.ds(base, RPT)], out_hbm.at[cid, pl.ds(base, RPT)])


G = 16
NGRP = CPT // G


def _msg_body(src_hbm, dst_hbm, hs_hbm, out_hbm, sidx, didx, rows,
              isem, g0, g1, ssem, acc):
    gsem = (g0, g1)
    cid = lax.axis_index("c")
    sid = lax.axis_index("s")
    wid = sid * 2 + cid
    zero16 = jnp.zeros((16,), jnp.float32)
    base = sid * RPT
    base0 = wid * CPT

    pltpu.sync_copy(src_hbm.at[pl.ds(base0, G)], sidx.at[0])
    pltpu.sync_copy(dst_hbm.at[pl.ds(base0, G)], didx.at[0])

    def _z(k, _):
        rows[0, k // (FIN // 16), pl.ds((k % (FIN // 16)) * 16, 16)] = zero16
        return 0

    lax.fori_loop(0, CHUNK * (FIN // 16), _z, 0)

    def _zc(k, _):
        pltpu.sync_copy(rows.at[0], acc.at[pl.ds(base + k * CHUNK, CHUNK)])
        return 0

    lax.fori_loop(0, RPT // CHUNK, _zc, 0)
    plsc.subcore_barrier()

    def _grp(g, _):
        slot = g % 2
        nxt = (g + 1) % 2

        @pl.when(g + 1 < NGRP)
        def _():
            pltpu.async_copy(
                src_hbm.at[pl.ds(base0 + (g + 1) * G, G)], sidx.at[nxt], isem)
            pltpu.async_copy(
                dst_hbm.at[pl.ds(base0 + (g + 1) * G, G)], didx.at[nxt], isem)

        for b in range(2):
            pltpu.async_copy(hs_hbm.at[sidx.at[slot, b]], rows.at[b], gsem[b])

        def _st(r, _):
            for b in range(2):
                k = r * 2 + b
                pltpu.make_async_copy(
                    hs_hbm.at[sidx.at[slot, k]], rows.at[b], gsem[b]).wait()
                pltpu.async_copy(
                    rows.at[b], acc.at[didx.at[slot, k]], ssem, add=True)
                pltpu.make_async_copy(
                    rows.at[b], acc.at[didx.at[slot, k]], ssem).wait()
                pltpu.async_copy(
                    hs_hbm.at[sidx.at[slot, k + 2]], rows.at[b], gsem[b])
            return 0

        lax.fori_loop(0, (G - 2) // 2, _st, 0)
        for b in range(2):
            k = G - 2 + b
            pltpu.make_async_copy(
                hs_hbm.at[sidx.at[slot, k]], rows.at[b], gsem[b]).wait()
            pltpu.async_copy(
                rows.at[b], acc.at[didx.at[slot, k]], ssem, add=True)
            pltpu.make_async_copy(
                rows.at[b], acc.at[didx.at[slot, k]], ssem).wait()

        @pl.when(g + 1 < NGRP)
        def _():
            pltpu.make_async_copy(
                src_hbm.at[pl.ds(base0, G)], sidx.at[nxt], isem).wait()
            pltpu.make_async_copy(
                dst_hbm.at[pl.ds(base0, G)], didx.at[nxt], isem).wait()
        return 0

    lax.fori_loop(0, NGRP, _grp, 0)
    plsc.subcore_barrier()
    pltpu.sync_copy(acc.at[pl.ds(base, RPT)], out_hbm.at[cid, pl.ds(base, RPT)])


@functools.cache
def _sc_kernels():
    mesh = plsc.VectorSubcoreMesh(
        core_axis_name="c", subcore_axis_name="s", num_cores=2, num_subcores=16)
    deg = pl.kernel(
        _deg_body,
        out_type=jax.ShapeDtypeStruct((2, NROW, FIN), jnp.float32),
        mesh=mesh,
        scratch_types=[
            pltpu.VMEM((CHUNK, FIN), jnp.float32),
            pltpu.VMEM((CPT, CHUNK), jnp.int32),
            pltpu.SemaphoreType.DMA,
            pltpu.VMEM_SHARED((NROW, FIN), jnp.float32),
        ],
    )
    msg = pl.kernel(
        _msg_body,
        out_type=jax.ShapeDtypeStruct((2, NROW, FIN), jnp.float32),
        mesh=mesh,
        scratch_types=[
            pltpu.VMEM((2, G, CHUNK), jnp.int32),
            pltpu.VMEM((2, G, CHUNK), jnp.int32),
            pltpu.VMEM((2, CHUNK, FIN), jnp.float32),
            pltpu.SemaphoreType.DMA,
            pltpu.SemaphoreType.DMA,
            pltpu.SemaphoreType.DMA,
            pltpu.SemaphoreType.DMA,
            pltpu.VMEM_SHARED((NROW, FIN), jnp.float32),
        ],
    )
    return deg, msg


BR = 1000


def _gcn_pre_body(x_ref, w_ref, hist_ref, hs_ref, dinv_ref):
    hb = hist_ref[...]
    deg = hb[0, :, 0:1] + hb[1, :, 0:1] + 1.0
    dinv = lax.rsqrt(jnp.maximum(deg, 1.0))
    h = jnp.dot(x_ref[...], w_ref[...], preferred_element_type=jnp.float32)
    hs_ref[...] = h * dinv
    dinv_ref[...] = dinv


def _gcn_pre(x, w, hist):
    return pl.pallas_call(
        _gcn_pre_body,
        grid=(N // BR,),
        in_specs=[
            pl.BlockSpec((BR, FIN), lambda i: (i, 0)),
            pl.BlockSpec((FIN, HID), lambda i: (0, 0)),
            pl.BlockSpec((2, BR, FIN), lambda i: (0, i, 0)),
        ],
        out_specs=[
            pl.BlockSpec((BR, HID), lambda i: (i, 0)),
            pl.BlockSpec((BR, 1), lambda i: (i, 0)),
        ],
        out_shape=[
            jax.ShapeDtypeStruct((N, HID), jnp.float32),
            jax.ShapeDtypeStruct((N, 1), jnp.float32),
        ],
    )(x, w, hist)


def _agg_body(acc_ref, hs_ref, dinv_ref, b_ref, agg_ref, s_ref, q_ref):
    a = acc_ref[...]
    t = a[0] + a[1] + hs_ref[...]
    agg = t * dinv_ref[...] + b_ref[...]
    agg_ref[...] = agg
    ps = jnp.sum(agg, axis=0, keepdims=True)
    pq = jnp.sum(agg * agg, axis=0, keepdims=True)
    i = pl.program_id(0)

    @pl.when(i == 0)
    def _():
        s_ref[...] = ps
        q_ref[...] = pq

    @pl.when(i != 0)
    def _():
        s_ref[...] += ps
        q_ref[...] += pq


def _agg(acc, hs, dinv, b_gcn):
    return pl.pallas_call(
        _agg_body,
        grid=(N // BR,),
        in_specs=[
            pl.BlockSpec((2, BR, HID), lambda i: (0, i, 0)),
            pl.BlockSpec((BR, HID), lambda i: (i, 0)),
            pl.BlockSpec((BR, 1), lambda i: (i, 0)),
            pl.BlockSpec((1, HID), lambda i: (0, 0)),
        ],
        out_specs=[
            pl.BlockSpec((BR, HID), lambda i: (i, 0)),
            pl.BlockSpec((1, HID), lambda i: (0, 0)),
            pl.BlockSpec((1, HID), lambda i: (0, 0)),
        ],
        out_shape=[
            jax.ShapeDtypeStruct((N, HID), jnp.float32),
            jax.ShapeDtypeStruct((1, HID), jnp.float32),
            jax.ShapeDtypeStruct((1, HID), jnp.float32),
        ],
    )(acc, hs, dinv, b_gcn)


def _enc_body(agg_ref, s_ref, q_ref, g1_ref, b1_ref, wmu_ref, bmu_ref,
              wlv_ref, blv_ref, wp_ref, bp_ref,
              mu_ref, lv_ref, zp_ref, zs_ref, zq_ref):
    inv_n = 1.0 / N
    mean = s_ref[...] * inv_n
    var = q_ref[...] * inv_n - mean * mean
    scale = g1_ref[...] * lax.rsqrt(var + 1e-5)
    hact = jnp.maximum((agg_ref[...] - mean) * scale + b1_ref[...], 0.0)
    mu = jnp.dot(hact, wmu_ref[...], preferred_element_type=jnp.float32) + bmu_ref[...]
    mu_ref[...] = mu
    lv_ref[...] = jnp.dot(hact, wlv_ref[...], preferred_element_type=jnp.float32) + blv_ref[...]
    zp = jnp.dot(mu, wp_ref[...], preferred_element_type=jnp.float32) + bp_ref[...]
    zp_ref[...] = zp
    ps = jnp.sum(zp, axis=0, keepdims=True)
    pq = jnp.sum(zp * zp, axis=0, keepdims=True)
    i = pl.program_id(0)

    @pl.when(i == 0)
    def _():
        zs_ref[...] = ps
        zq_ref[...] = pq

    @pl.when(i != 0)
    def _():
        zs_ref[...] += ps
        zq_ref[...] += pq


def _enc(agg, ssum, ssq, gamma1, beta1, w_mu, b_mu, w_lv, b_lv, w_p, b_p):
    return pl.pallas_call(
        _enc_body,
        grid=(N // BR,),
        in_specs=[
            pl.BlockSpec((BR, HID), lambda i: (i, 0)),
            pl.BlockSpec((1, HID), lambda i: (0, 0)),
            pl.BlockSpec((1, HID), lambda i: (0, 0)),
            pl.BlockSpec((1, HID), lambda i: (0, 0)),
            pl.BlockSpec((1, HID), lambda i: (0, 0)),
            pl.BlockSpec((HID, LZ), lambda i: (0, 0)),
            pl.BlockSpec((1, LZ), lambda i: (0, 0)),
            pl.BlockSpec((HID, LZ), lambda i: (0, 0)),
            pl.BlockSpec((1, LZ), lambda i: (0, 0)),
            pl.BlockSpec((LZ, LT), lambda i: (0, 0)),
            pl.BlockSpec((1, LT), lambda i: (0, 0)),
        ],
        out_specs=[
            pl.BlockSpec((BR, LZ), lambda i: (i, 0)),
            pl.BlockSpec((BR, LZ), lambda i: (i, 0)),
            pl.BlockSpec((BR, LT), lambda i: (i, 0)),
            pl.BlockSpec((1, LT), lambda i: (0, 0)),
            pl.BlockSpec((1, LT), lambda i: (0, 0)),
        ],
        out_shape=[
            jax.ShapeDtypeStruct((N, LZ), jnp.float32),
            jax.ShapeDtypeStruct((N, LZ), jnp.float32),
            jax.ShapeDtypeStruct((N, LT), jnp.float32),
            jax.ShapeDtypeStruct((1, LT), jnp.float32),
            jax.ShapeDtypeStruct((1, LT), jnp.float32),
        ],
    )(agg, ssum, ssq, gamma1, beta1, w_mu, b_mu, w_lv, b_lv, w_p, b_p)


def _teach_body(zp_ref, zs_ref, zq_ref, gp_ref, bp_ref, wt1_ref, bt1_ref,
                wt2_ref, bt2_ref, xr_ref):
    inv_n = 1.0 / N
    mean = zs_ref[...] * inv_n
    var = zq_ref[...] * inv_n - mean * mean
    scale = gp_ref[...] * lax.rsqrt(var + 1e-5)
    zpn = (zp_ref[...] - mean) * scale + bp_ref[...]
    t = jnp.maximum(
        jnp.dot(zpn, wt1_ref[...], preferred_element_type=jnp.float32) + bt1_ref[...], 0.0)
    xr_ref[...] = jnp.dot(t, wt2_ref[...], preferred_element_type=jnp.float32) + bt2_ref[...]


def _teach(zp, zsum, zsq, gamma_p, beta_p, wt1, bt1, wt2, bt2):
    return pl.pallas_call(
        _teach_body,
        grid=(N // BR,),
        in_specs=[
            pl.BlockSpec((BR, LT), lambda i: (i, 0)),
            pl.BlockSpec((1, LT), lambda i: (0, 0)),
            pl.BlockSpec((1, LT), lambda i: (0, 0)),
            pl.BlockSpec((1, LT), lambda i: (0, 0)),
            pl.BlockSpec((1, LT), lambda i: (0, 0)),
            pl.BlockSpec((LT, THID), lambda i: (0, 0)),
            pl.BlockSpec((1, THID), lambda i: (0, 0)),
            pl.BlockSpec((THID, FIN), lambda i: (0, 0)),
            pl.BlockSpec((1, FIN), lambda i: (0, 0)),
        ],
        out_specs=pl.BlockSpec((BR, FIN), lambda i: (i, 0)),
        out_shape=jax.ShapeDtypeStruct((N, FIN), jnp.float32),
    )(zp, zsum, zsq, gamma_p, beta_p, wt1, bt1, wt2, bt2)


DR = 400


def _adj_body(zi_ref, zj_ref, out_ref):
    d = lax.dot_general(zi_ref[...], zj_ref[...], (((1,), (1,)), ((), ())),
                        preferred_element_type=jnp.float32)
    out_ref[...] = jax.nn.sigmoid(d)


def _adj(mu):
    return pl.pallas_call(
        _adj_body,
        grid=(N // DR,),
        in_specs=[
            pl.BlockSpec((DR, LZ), lambda i: (i, 0)),
            pl.BlockSpec((N, LZ), lambda i: (0, 0)),
        ],
        out_specs=pl.BlockSpec((DR, N), lambda i: (i, 0)),
        out_shape=jax.ShapeDtypeStruct((N, N), jnp.float32),
    )(mu, mu)


def kernel(x, edge_index, W_gcn, b_gcn, gamma1, beta1, W_mu, b_mu, W_lv, b_lv,
           W_proj, b_proj, gamma_p, beta_p, Wt1, bt1, Wt2, bt2):
    src = edge_index[0]
    dst = edge_index[1]
    pad = EPAD - E
    src_pad = jnp.concatenate([src, jnp.zeros((pad,), jnp.int32)])
    dst_pad = jnp.concatenate([dst, jnp.full((pad,), N, jnp.int32)])
    src2 = src_pad.reshape(EPAD // CHUNK, CHUNK)
    dst2 = dst_pad.reshape(EPAD // CHUNK, CHUNK)

    deg_sc, msg_sc = _sc_kernels()
    hist = deg_sc(dst2)
    hs, dinv = _gcn_pre(x, W_gcn, hist)
    acc = msg_sc(src2, dst2, hs)
    agg, ssum, ssq = _agg(acc, hs, dinv, b_gcn.reshape(1, HID))
    mu, logvar, zp, zsum, zsq = _enc(
        agg, ssum, ssq, gamma1.reshape(1, HID), beta1.reshape(1, HID),
        W_mu, b_mu.reshape(1, LZ), W_lv, b_lv.reshape(1, LZ),
        W_proj, b_proj.reshape(1, LT))
    x_recon = _teach(zp, zsum, zsq, gamma_p.reshape(1, LT), beta_p.reshape(1, LT),
                     Wt1, bt1.reshape(1, THID), Wt2, bt2.reshape(1, FIN))
    adj_recon = _adj(mu)
    return (adj_recon, x_recon, mu, logvar)

# --- scband reference (transcript-rebuilt; emitter-appended) ---
"""Pipeline reference for scband-student-teacher-vgae-54030688584372 (READ-ONLY COPY).

The authoritative reference and input builder live on the scoring server;
editing this copy changes nothing except your own understanding.
"""

import jax, jax.numpy as jnp
import numpy as np

N = 10000
E = 320000
F_IN = 128
H = 128
LZ = 32
LT = 64
TH = 256


def setup_inputs(seed: int = 0) -> dict:
    key = jax.random.key(seed)
    ks = jax.random.split(key, 20)
    x = jax.random.normal(ks[0], (N, F_IN), dtype=jnp.float32)
    edge_index = jax.random.randint(ks[1], (2, E), 0, N, dtype=jnp.int32)
    s = 0.05
    W_gcn = jax.random.normal(ks[2], (F_IN, H), dtype=jnp.float32) * s
    b_gcn = jnp.zeros((H,), dtype=jnp.float32)
    gamma1 = jnp.ones((H,), dtype=jnp.float32)
    beta1 = jnp.zeros((H,), dtype=jnp.float32)
    W_mu = jax.random.normal(ks[3], (H, LZ), dtype=jnp.float32) * s
    b_mu = jnp.zeros((LZ,), dtype=jnp.float32)
    W_lv = jax.random.normal(ks[4], (H, LZ), dtype=jnp.float32) * s
    b_lv = jnp.zeros((LZ,), dtype=jnp.float32)
    W_proj = jax.random.normal(ks[5], (LZ, LT), dtype=jnp.float32) * s
    b_proj = jnp.zeros((LT,), dtype=jnp.float32)
    gamma_p = jnp.ones((LT,), dtype=jnp.float32)
    beta_p = jnp.zeros((LT,), dtype=jnp.float32)
    Wt1 = jax.random.normal(ks[6], (LT, TH), dtype=jnp.float32) * s
    bt1 = jnp.zeros((TH,), dtype=jnp.float32)
    Wt2 = jax.random.normal(ks[7], (TH, F_IN), dtype=jnp.float32) * s
    bt2 = jnp.zeros((F_IN,), dtype=jnp.float32)
    return {
        'x': x, 'edge_index': edge_index,
        'W_gcn': W_gcn, 'b_gcn': b_gcn, 'gamma1': gamma1, 'beta1': beta1,
        'W_mu': W_mu, 'b_mu': b_mu, 'W_lv': W_lv, 'b_lv': b_lv,
        'W_proj': W_proj, 'b_proj': b_proj, 'gamma_p': gamma_p, 'beta_p': beta_p,
        'Wt1': Wt1, 'bt1': bt1, 'Wt2': Wt2, 'bt2': bt2,
    }


def _batchnorm(h, gamma, beta):
    mean = h.mean(axis=0)
    var = h.var(axis=0)
    return (h - mean) * jax.lax.rsqrt(var + 1e-5) * gamma + beta


def reference(x, edge_index, W_gcn, b_gcn, gamma1, beta1, W_mu, b_mu, W_lv, b_lv,
              W_proj, b_proj, gamma_p, beta_p, Wt1, bt1, Wt2, bt2):
    n = x.shape[0]
    loop = jnp.arange(n, dtype=edge_index.dtype)
    src = jnp.concatenate([edge_index[0], loop])
    dst = jnp.concatenate([edge_index[1], loop])
    # GCN layer (symmetric normalization with self-loops)
    deg = jax.ops.segment_sum(jnp.ones_like(dst, dtype=jnp.float32), dst, num_segments=n)
    dinv = jax.lax.rsqrt(jnp.maximum(deg, 1.0))
    norm = dinv[src] * dinv[dst]
    h = x @ W_gcn
    msg = h[src] * norm[:, None]
    agg = jax.ops.segment_sum(msg, dst, num_segments=n) + b_gcn
    # BatchNorm (batch statistics) + ReLU; dropout is identity in eval
    hbn = _batchnorm(agg, gamma1, beta1)
    hact = jax.nn.relu(hbn)
    mu = hact @ W_mu + b_mu
    logvar = hact @ W_lv + b_lv
    # eval-mode reparameterize: z = mu
    z = mu
    # inner-product structure decoder
    adj_recon = jax.nn.sigmoid(z @ z.T)
    # latent projection (Linear + BatchNorm, no ReLU)
    zp = z @ W_proj + b_proj
    zpn = _batchnorm(zp, gamma_p, beta_p)
    # frozen teacher decoder (MLP: LT -> TH -> F_IN)
    x_recon = jax.nn.relu(zpn @ Wt1 + bt1) @ Wt2 + bt2
    return (adj_recon, x_recon, mu, logvar)

if __name__ == "__main__":
    import jax
    _d = setup_inputs()
    print(jax.jit(kernel)(*tuple(_d.values())))

</pallas_src>

<mosaic_0001>
#map = affine_map<(d0, d1) -> (0, 0)>
#map1 = affine_map<(d0, d1) -> (0, 0, 0)>
module attributes {stable_mosaic.version = 14 : i64} {
  func.func @_deg_body(%arg0: i32, %arg1: i32, %arg2: memref<2560x128xi32, #tpu.memory_space<hbm>>, %arg3: memref<2x10240x128xf32, #tpu.memory_space<hbm>>, %arg4: memref<128x128xf32, #tpu.memory_space<vmem>>, %arg5: memref<80x128xi32, #tpu.memory_space<vmem>>, %arg6: memref<!tpu.dma_semaphore, #tpu.memory_space<semaphore_mem>>, %arg7: memref<10240x128xf32, #tpu.memory_space<vmem_shared>>) attributes {dimension_semantics = [#tpu.dimension_semantics<core_parallel>, #tpu.dimension_semantics<subcore_parallel>], iteration_bounds = array<i64: 2, 16>, scalar_prefetch = 0 : i64, scratch_operands = 4 : i64, tpu.core_type = #tpu.core_type<sc_vector_subcore>, window_params = [{transform_indices = #map}, {transform_indices = #map1}]} {
    %mul3A = arith.constant 2 : i32
    %mul3A_0 = arith.muli %arg1, %mul3A : i32
    %add3A = arith.addi %mul3A_0, %arg0 : i32
    %broadcast_in_dim3A = arith.constant 0.000000e+00 : f32
    %broadcast_in_dim3A_1 = vector.broadcast %broadcast_in_dim3A : f32 to vector<16xf32>
    %broadcast_in_dim3A_2 = arith.constant 1.000000e+00 : f32
    %broadcast_in_dim3A_3 = vector.broadcast %broadcast_in_dim3A_2 : f32 to vector<16xf32>
    %mul3A_4 = arith.constant 640 : i32
    %mul3A_5 = arith.muli %arg1, %mul3A_4 : i32
    %mul3A_6 = arith.constant 80 : i32
    %mul3A_7 = arith.muli %add3A, %mul3A_6 : i32
    "tpu.region"() ({
      %run_scoped3A = tpu.sem_alloc : memref<!tpu.dma_semaphore, #tpu.memory_space<semaphore_mem>>
      %dma_start3A = arith.constant 0 : i32
      %dma_start3A_43 = tpu.memref_slice %arg2[%mul3A_7, %dma_start3A] : memref<2560x128xi32, #tpu.memory_space<hbm>> -> memref<80x128xi32, #tpu.memory_space<hbm>>
      %dma_start3A_44 = arith.constant 0 : i32
      %dma_start3A_45 = tpu.memref_slice %arg2[%mul3A_7, %dma_start3A_44] : memref<2560x128xi32, #tpu.memory_space<hbm>> -> memref<80x128xi32, #tpu.memory_space<hbm>>
      tpu.enqueue_dma source(%dma_start3A_45 : memref<80x128xi32, #tpu.memory_space<hbm>>) target(%arg5 : memref<80x128xi32, #tpu.memory_space<vmem>>) target_semaphore(%run_scoped3A : memref<!tpu.dma_semaphore, #tpu.memory_space<semaphore_mem>>)
      %dma_wait3A = arith.constant 0 : i32
      %dma_wait3A_46 = tpu.memref_slice %arg2[%mul3A_7, %dma_wait3A] : memref<2560x128xi32, #tpu.memory_space<hbm>> -> memref<80x128xi32, #tpu.memory_space<hbm>>
      %dma_wait3A_47 = arith.constant 0 : i32
      %dma_wait3A_48 = tpu.memref_slice %arg2[%mul3A_7, %dma_wait3A_47] : memref<2560x128xi32, #tpu.memory_space<hbm>> -> memref<80x128xi32, #tpu.memory_space<hbm>>
      tpu.wait_dma2 semaphore(%run_scoped3A : memref<!tpu.dma_semaphore, #tpu.memory_space<semaphore_mem>>) src(%dma_wait3A_48 : memref<80x128xi32, #tpu.memory_space<hbm>>) dst(%arg5 : memref<80x128xi32, #tpu.memory_space<vmem>>)
      tpu.yield
    }) : () -> ()
    %scan3A = arith.constant 0 : i32
    %scan3A_8 = arith.constant 0 : i32
    %scan3A_9 = arith.constant 1024 : i32
    %scan3A_10 = arith.addi %scan3A_8, %scan3A_9 : i32
    %scan3A_11 = arith.constant 1 : i32
    %scan3A_12 = scf.for %scan3A_43 = %scan3A_8 to %scan3A_10 step %scan3A_11 iter_args(%scan3A_44 = %scan3A) -> (i32)  : i32 {
      %jit3A = arith.constant 8 : i32
      %div3A = arith.divsi %scan3A_43, %jit3A : i32
      %sign3A = arith.constant 0 : i32
      %sign3A_45 = arith.cmpi sgt, %scan3A_43, %sign3A : i32
      %sign3A_46 = arith.extui %sign3A_45 : i1 to i32
      %sign3A_47 = arith.constant 0 : i32
      %sign3A_48 = arith.cmpi slt, %scan3A_43, %sign3A_47 : i32
      %sign3A_49 = arith.extui %sign3A_48 : i1 to i32
      %sign3A_50 = arith.subi %sign3A_46, %sign3A_49 : i32
      %sign3A_51 = arith.constant 0 : i32
      %sign3A_52 = arith.cmpi sgt, %jit3A, %sign3A_51 : i32
      %sign3A_53 = arith.extui %sign3A_52 : i1 to i32
      %sign3A_54 = arith.constant 0 : i32
      %sign3A_55 = arith.cmpi slt, %jit3A, %sign3A_54 : i32
      %sign3A_56 = arith.extui %sign3A_55 : i1 to i32
      %sign3A_57 = arith.subi %sign3A_53, %sign3A_56 : i32
      %ne3A = arith.cmpi ne, %sign3A_50, %sign3A_57 : i32
      %rem3A = arith.remsi %scan3A_43, %jit3A : i32
      %ne3A_58 = arith.constant 0 : i32
      %ne3A_59 = arith.cmpi ne, %rem3A, %ne3A_58 : i32
      %and3A = arith.andi %ne3A, %ne3A_59 : i1
      %sub3A = arith.constant 1 : i32
      %sub3A_60 = arith.subi %div3A, %sub3A : i32
      %select_n3A = arith.select %and3A, %sub3A_60, %div3A : i32
      %jit3A_61 = arith.constant 8 : i32
      %eq3A = arith.constant 0 : i32
      %eq3A_62 = arith.cmpi eq, %jit3A_61, %eq3A : i32
      %jit3A_63 = arith.constant 1 : i32
      %select_n3A_64 = arith.select %eq3A_62, %jit3A_63, %jit3A_61 : i32
      %rem3A_65 = arith.remsi %scan3A_43, %select_n3A_64 : i32
      %ne3A_66 = arith.constant 0 : i32
      %ne3A_67 = arith.cmpi ne, %rem3A_65, %ne3A_66 : i32
      %lt3A = arith.constant 0 : i32
      %lt3A_68 = arith.cmpi slt, %rem3A_65, %lt3A : i32
      %lt3A_69 = arith.constant 0 : i32
      %lt3A_70 = arith.cmpi slt, %select_n3A_64, %lt3A_69 : i32
      %ne3A_71 = arith.xori %lt3A_68, %lt3A_70 : i1
      %and3A_72 = arith.andi %ne3A_71, %ne3A_67 : i1
      %add3A_73 = arith.addi %rem3A_65, %select_n3A_64 : i32
      %select_n3A_74 = arith.select %and3A_72, %add3A_73, %rem3A_65 : i32
      %mul3A_75 = arith.constant 16 : i32
      %mul3A_76 = arith.muli %select_n3A_74, %mul3A_75 : i32
      %swap3A = arith.index_cast %select_n3A : i32 to index
      %swap3A_77 = arith.index_cast %mul3A_76 : i32 to index
      %swap3A_78 = tpu.vector_load %arg4[%swap3A, %swap3A_77] {strides = array<i32>} : memref<128x128xf32, #tpu.memory_space<vmem>>, vector<1x16xf32>,
      %swap3A_79 = vector.shape_cast %swap3A_78 : vector<1x16xf32> to vector<16xf32>
      %swap3A_80 = vector.shape_cast %broadcast_in_dim3A_1 : vector<16xf32> to vector<1x16xf32>
      tpu.vector_store %arg4[%swap3A, %swap3A_77], %swap3A_80 {strides = array<i32>} : memref<128x128xf32, #tpu.memory_space<vmem>>, vector<1x16xf32>,
      %scan3A_81 = arith.constant 0 : i32
      scf.yield %scan3A_81 : i32
    }
    %scan3A_13 = arith.constant 1024 : i32
    %scan3A_14 = arith.constant 0 : i32
    %scan3A_15 = arith.constant 0 : i32
    %scan3A_16 = arith.constant 5 : i32
    %scan3A_17 = arith.addi %scan3A_15, %scan3A_16 : i32
    %scan3A_18 = arith.constant 1 : i32
    %scan3A_19 = scf.for %scan3A_43 = %scan3A_15 to %scan3A_17 step %scan3A_18 iter_args(%scan3A_44 = %scan3A_14) -> (i32)  : i32 {
      %mul3A_45 = arith.constant 128 : i32
      %mul3A_46 = arith.muli %scan3A_43, %mul3A_45 : i32
      %add3A_47 = arith.addi %mul3A_5, %mul3A_46 : i32
      "tpu.region"() ({
        %run_scoped3A = tpu.sem_alloc : memref<!tpu.dma_semaphore, #tpu.memory_space<semaphore_mem>>
        %dma_start3A = arith.constant 0 : i32
        %dma_start3A_49 = tpu.memref_slice %arg7[%add3A_47, %dma_start3A] : memref<10240x128xf32, #tpu.memory_space<vmem_shared>> -> memref<128x128xf32, #tpu.memory_space<vmem_shared>>
        %dma_start3A_50 = arith.constant 0 : i32
        %dma_start3A_51 = tpu.memref_slice %arg7[%add3A_47, %dma_start3A_50] : memref<10240x128xf32, #tpu.memory_space<vmem_shared>> -> memref<128x128xf32, #tpu.memory_space<vmem_shared>>
        tpu.enqueue_dma source(%arg4 : memref<128x128xf32, #tpu.memory_space<vmem>>) target(%dma_start3A_51 : memref<128x128xf32, #tpu.memory_space<vmem_shared>>) target_semaphore(%run_scoped3A : memref<!tpu.dma_semaphore, #tpu.memory_space<semaphore_mem>>)
        %dma_wait3A = arith.constant 0 : i32
        %dma_wait3A_52 = tpu.memref_slice %arg7[%add3A_47, %dma_wait3A] : memref<10240x128xf32, #tpu.memory_space<vmem_shared>> -> memref<128x128xf32, #tpu.memory_space<vmem_shared>>
        %dma_wait3A_53 = arith.constant 0 : i32
        %dma_wait3A_54 = tpu.memref_slice %arg7[%add3A_47, %dma_wait3A_53] : memref<10240x128xf32, #tpu.memory_space<vmem_shared>> -> memref<128x128xf32, #tpu.memory_space<vmem_shared>>
        tpu.wait_dma2 semaphore(%run_scoped3A : memref<!tpu.dma_semaphore, #tpu.memory_space<semaphore_mem>>) src(%arg4 : memref<128x128xf32, #tpu.memory_space<vmem>>) dst(%dma_wait3A_54 : memref<128x128xf32, #tpu.memory_space<vmem_shared>>)
        tpu.yield
      }) : () -> ()
      %scan3A_48 = arith.constant 0 : i32
      scf.yield %scan3A_48 : i32
    }
    %scan3A_20 = arith.constant 5 : i32
    %scan3A_21 = arith.constant 0 : i32
    %scan3A_22 = arith.constant 0 : i32
    %scan3A_23 = arith.constant 1024 : i32
    %scan3A_24 = arith.addi %scan3A_22, %scan3A_23 : i32
    %scan3A_25 = arith.constant 1 : i32
    %scan3A_26 = scf.for %scan3A_43 = %scan3A_22 to %scan3A_24 step %scan3A_25 iter_args(%scan3A_44 = %scan3A_21) -> (i32)  : i32 {
      %jit3A = arith.constant 8 : i32
      %div3A = arith.divsi %scan3A_43, %jit3A : i32
      %sign3A = arith.constant 0 : i32
      %sign3A_45 = arith.cmpi sgt, %scan3A_43, %sign3A : i32
      %sign3A_46 = arith.extui %sign3A_45 : i1 to i32
      %sign3A_47 = arith.constant 0 : i32
      %sign3A_48 = arith.cmpi slt, %scan3A_43, %sign3A_47 : i32
      %sign3A_49 = arith.extui %sign3A_48 : i1 to i32
      %sign3A_50 = arith.subi %sign3A_46, %sign3A_49 : i32
      %sign3A_51 = arith.constant 0 : i32
      %sign3A_52 = arith.cmpi sgt, %jit3A, %sign3A_51 : i32
      %sign3A_53 = arith.extui %sign3A_52 : i1 to i32
      %sign3A_54 = arith.constant 0 : i32
      %sign3A_55 = arith.cmpi slt, %jit3A, %sign3A_54 : i32
      %sign3A_56 = arith.extui %sign3A_55 : i1 to i32
      %sign3A_57 = arith.subi %sign3A_53, %sign3A_56 : i32
      %ne3A = arith.cmpi ne, %sign3A_50, %sign3A_57 : i32
      %rem3A = arith.remsi %scan3A_43, %jit3A : i32
      %ne3A_58 = arith.constant 0 : i32
      %ne3A_59 = arith.cmpi ne, %rem3A, %ne3A_58 : i32
      %and3A = arith.andi %ne3A, %ne3A_59 : i1
      %sub3A = arith.constant 1 : i32
      %sub3A_60 = arith.subi %div3A, %sub3A : i32
      %select_n3A = arith.select %and3A, %sub3A_60, %div3A : i32
      %jit3A_61 = arith.constant 8 : i32
      %eq3A = arith.constant 0 : i32
      %eq3A_62 = arith.cmpi eq, %jit3A_61, %eq3A : i32
      %jit3A_63 = arith.constant 1 : i32
      %select_n3A_64 = arith.select %eq3A_62, %jit3A_63, %jit3A_61 : i32
      %rem3A_65 = arith.remsi %scan3A_43, %select_n3A_64 : i32
      %ne3A_66 = arith.constant 0 : i32
      %ne3A_67 = arith.cmpi ne, %rem3A_65, %ne3A_66 : i32
      %lt3A = arith.constant 0 : i32
      %lt3A_68 = arith.cmpi slt, %rem3A_65, %lt3A : i32
      %lt3A_69 = arith.constant 0 : i32
      %lt3A_70 = arith.cmpi slt, %select_n3A_64, %lt3A_69 : i32
      %ne3A_71 = arith.xori %lt3A_68, %lt3A_70 : i1
      %and3A_72 = arith.andi %ne3A_71, %ne3A_67 : i1
      %add3A_73 = arith.addi %rem3A_65, %select_n3A_64 : i32
      %select_n3A_74 = arith.select %and3A_72, %add3A_73, %rem3A_65 : i32
      %mul3A_75 = arith.constant 16 : i32
      %mul3A_76 = arith.muli %select_n3A_74, %mul3A_75 : i32
      %swap3A = arith.index_cast %select_n3A : i32 to index
      %swap3A_77 = arith.index_cast %mul3A_76 : i32 to index
      %swap3A_78 = tpu.vector_load %arg4[%swap3A, %swap3A_77] {strides = array<i32>} : memref<128x128xf32, #tpu.memory_space<vmem>>, vector<1x16xf32>,
      %swap3A_79 = vector.shape_cast %swap3A_78 : vector<1x16xf32> to vector<16xf32>
      %swap3A_80 = vector.shape_cast %broadcast_in_dim3A_3 : vector<16xf32> to vector<1x16xf32>
      tpu.vector_store %arg4[%swap3A, %swap3A_77], %swap3A_80 {strides = array<i32>} : memref<128x128xf32, #tpu.memory_space<vmem>>, vector<1x16xf32>,
      %scan3A_81 = arith.constant 0 : i32
      scf.yield %scan3A_81 : i32
    }
    %scan3A_27 = arith.constant 1024 : i32
    %barrier3A = arith.constant 0 : index
    tpu.barrier barrier_id(%barrier3A)
    %scan3A_28 = arith.constant 0 : i32
    %scan3A_29 = arith.constant 0 : i32
    %scan3A_30 = arith.constant 80 : i32
    %scan3A_31 = arith.addi %scan3A_29, %scan3A_30 : i32
    %scan3A_32 = arith.constant 1 : i32
    %scan3A_33 = scf.for %scan3A_43 = %scan3A_29 to %scan3A_31 step %scan3A_32 iter_args(%scan3A_44 = %scan3A_28) -> (i32)  : i32 {
      %dma_start3A = arith.constant 0 : i32
      %dma_start3A_45 = tpu.memref_slice %arg5[%scan3A_43, %dma_start3A] : memref<80x128xi32, #tpu.memory_space<vmem>> -> memref<1x128xi32, #tpu.memory_space<vmem>>
      %dma_start3A_46 = tpu.memref_squeeze %dma_start3A_45 : memref<1x128xi32, #tpu.memory_space<vmem>> -> memref<128xi32, #tpu.memory_space<vmem>>
      %dma_start3A_47 = arith.constant 0 : i32
      %dma_start3A_48 = arith.constant 0 : i32
      %dma_start3A_49 = tpu.memref_slice %arg7[%dma_start3A_47, %dma_start3A_48] : memref<10240x128xf32, #tpu.memory_space<vmem_shared>> -> memref<10240x128xf32, #tpu.memory_space<vmem_shared>>
      tpu.enqueue_indirect_dma source(%arg4 : memref<128x128xf32, #tpu.memory_space<vmem>>) target(%dma_start3A_49 : memref<10240x128xf32, #tpu.memory_space<vmem_shared>>) offsets(%dma_start3A_46 : memref<128xi32, #tpu.memory_space<vmem>>) semaphore(%arg6 : memref<!tpu.dma_semaphore, #tpu.memory_space<semaphore_mem>>) {add = true}
      %scan3A_50 = arith.constant 0 : i32
      scf.yield %scan3A_50 : i32
    }
    %scan3A_34 = arith.constant 80 : i32
    %scan3A_35 = arith.constant 0 : i32
    %scan3A_36 = arith.constant 0 : i32
    %scan3A_37 = arith.constant 80 : i32
    %scan3A_38 = arith.addi %scan3A_36, %scan3A_37 : i32
    %scan3A_39 = arith.constant 1 : i32
    %scan3A_40 = scf.for %scan3A_43 = %scan3A_36 to %scan3A_38 step %scan3A_39 iter_args(%scan3A_44 = %scan3A_35) -> (i32)  : i32 {
      %dma_wait3A = arith.constant 0 : i32
      %dma_wait3A_45 = tpu.memref_slice %arg5[%scan3A_43, %dma_wait3A] : memref<80x128xi32, #tpu.memory_space<vmem>> -> memref<1x128xi32, #tpu.memory_space<vmem>>
      %dma_wait3A_46 = tpu.memref_squeeze %dma_wait3A_45 : memref<1x128xi32, #tpu.memory_space<vmem>> -> memref<128xi32, #tpu.memory_space<vmem>>
      %dma_wait3A_47 = arith.constant 0 : i32
      %dma_wait3A_48 = arith.constant 0 : i32
      %dma_wait3A_49 = tpu.memref_slice %arg7[%dma_wait3A_47, %dma_wait3A_48] : memref<10240x128xf32, #tpu.memory_space<vmem_shared>> -> memref<10240x128xf32, #tpu.memory_space<vmem_shared>>
      tpu.wait_indirect_dma semaphore(%arg6 : memref<!tpu.dma_semaphore, #tpu.memory_space<semaphore_mem>>) src(%arg4 : memref<128x128xf32, #tpu.memory_space<vmem>>) dst(%dma_wait3A_49 : memref<10240x128xf32, #tpu.memory_space<vmem_shared>>)
      %scan3A_50 = arith.constant 0 : i32
      scf.yield %scan3A_50 : i32
    }
    %scan3A_41 = arith.constant 80 : i32
    %barrier3A_42 = arith.constant 0 : index
    tpu.barrier barrier_id(%barrier3A_42)
    "tpu.region"() ({
      %run_scoped3A = tpu.sem_alloc : memref<!tpu.dma_semaphore, #tpu.memory_space<semaphore_mem>>
      %dma_start3A = arith.constant 0 : i32
      %dma_start3A_43 = tpu.memref_slice %arg3[%arg0, %mul3A_5, %dma_start3A] : memref<2x10240x128xf32, #tpu.memory_space<hbm>> -> memref<1x640x128xf32, #tpu.memory_space<hbm>>
      %dma_start3A_44 = tpu.memref_squeeze %dma_start3A_43 : memref<1x640x128xf32, #tpu.memory_space<hbm>> -> memref<640x128xf32, #tpu.memory_space<hbm>>
      %dma_start3A_45 = arith.constant 0 : i32
      %dma_start3A_46 = tpu.memref_slice %arg7[%mul3A_5, %dma_start3A_45] : memref<10240x128xf32, #tpu.memory_space<vmem_shared>> -> memref<640x128xf32, #tpu.memory_space<vmem_shared>>
      tpu.enqueue_dma source(%dma_start3A_46 : memref<640x128xf32, #tpu.memory_space<vmem_shared>>) target(%dma_start3A_44 : memref<640x128xf32, #tpu.memory_space<hbm>>) target_semaphore(%run_scoped3A : memref<!tpu.dma_semaphore, #tpu.memory_space<semaphore_mem>>)
      %dma_wait3A = arith.constant 0 : i32
      %dma_wait3A_47 = tpu.memref_slice %arg3[%arg0, %mul3A_5, %dma_wait3A] : memref<2x10240x128xf32, #tpu.memory_space<hbm>> -> memref<1x640x128xf32, #tpu.memory_space<hbm>>
      %dma_wait3A_48 = tpu.memref_squeeze %dma_wait3A_47 : memref<1x640x128xf32, #tpu.memory_space<hbm>> -> memref<640x128xf32, #tpu.memory_space<hbm>>
      %dma_wait3A_49 = arith.constant 0 : i32
      %dma_wait3A_50 = tpu.memref_slice %arg7[%mul3A_5, %dma_wait3A_49] : memref<10240x128xf32, #tpu.memory_space<vmem_shared>> -> memref<640x128xf32, #tpu.memory_space<vmem_shared>>
      tpu.wait_dma2 semaphore(%run_scoped3A : memref<!tpu.dma_semaphore, #tpu.memory_space<semaphore_mem>>) src(%dma_wait3A_50 : memref<640x128xf32, #tpu.memory_space<vmem_shared>>) dst(%dma_wait3A_48 : memref<640x128xf32, #tpu.memory_space<hbm>>)
      tpu.yield
    }) : () -> ()
    return
  }
}

#map = affine_map<(d0, d1) -> (0, 0)>
#map1 = affine_map<(d0, d1) -> (0, 0, 0)>
module attributes {stable_mosaic.version = 14 : i64} {
  func.func @_msg_body(%arg0: i32, %arg1: i32, %arg2: memref<2560x128xi32, #tpu.memory_space<hbm>>, %arg3: memref<2560x128xi32, #tpu.memory_space<hbm>>, %arg4: memref<10000x128xf32, #tpu.memory_space<hbm>>, %arg5: memref<2x10240x128xf32, #tpu.memory_space<hbm>>, %arg6: memref<2x16x128xi32, #tpu.memory_space<vmem>>, %arg7: memref<2x16x128xi32, #tpu.memory_space<vmem>>, %arg8: memref<2x128x128xf32, #tpu.memory_space<vmem>>, %arg9: memref<!tpu.dma_semaphore, #tpu.memory_space<semaphore_mem>>, %arg10: memref<!tpu.dma_semaphore, #tpu.memory_space<semaphore_mem>>, %arg11: memref<!tpu.dma_semaphore, #tpu.memory_space<semaphore_mem>>, %arg12: memref<!tpu.dma_semaphore, #tpu.memory_space<semaphore_mem>>, %arg13: memref<10240x128xf32, #tpu.memory_space<vmem_shared>>) attributes {dimension_semantics = [#tpu.dimension_semantics<core_parallel>, #tpu.dimension_semantics<subcore_parallel>], iteration_bounds = array<i64: 2, 16>, scalar_prefetch = 0 : i64, scratch_operands = 8 : i64, tpu.core_type = #tpu.core_type<sc_vector_subcore>, window_params = [{transform_indices = #map}, {transform_indices = #map}, {transform_indices = #map}, {transform_indices = #map1}]} {
    %mul3A = arith.constant 2 : i32
    %mul3A_0 = arith.muli %arg1, %mul3A : i32
    %add3A = arith.addi %mul3A_0, %arg0 : i32
    %broadcast_in_dim3A = arith.constant 0.000000e+00 : f32
    %broadcast_in_dim3A_1 = vector.broadcast %broadcast_in_dim3A : f32 to vector<16xf32>
    %mul3A_2 = arith.constant 640 : i32
    %mul3A_3 = arith.muli %arg1, %mul3A_2 : i32
    %mul3A_4 = arith.constant 80 : i32
    %mul3A_5 = arith.muli %add3A, %mul3A_4 : i32
    %run_scoped3A = arith.constant 0 : i32
    "tpu.region"() ({
      %run_scoped3A_28 = tpu.sem_alloc : memref<!tpu.dma_semaphore, #tpu.memory_space<semaphore_mem>>
      %dma_start3A = arith.constant 0 : i32
      %dma_start3A_29 = arith.constant 0 : i32
      %dma_start3A_30 = tpu.memref_slice %arg6[%run_scoped3A, %dma_start3A, %dma_start3A_29] : memref<2x16x128xi32, #tpu.memory_space<vmem>> -> memref<1x16x128xi32, #tpu.memory_space<vmem>>
      %dma_start3A_31 = tpu.memref_squeeze %dma_start3A_30 : memref<1x16x128xi32, #tpu.memory_space<vmem>> -> memref<16x128xi32, #tpu.memory_space<vmem>>
      %dma_start3A_32 = arith.constant 0 : i32
      %dma_start3A_33 = tpu.memref_slice %arg2[%mul3A_5, %dma_start3A_32] : memref<2560x128xi32, #tpu.memory_space<hbm>> -> memref<16x128xi32, #tpu.memory_space<hbm>>
      %dma_start3A_34 = arith.constant 0 : i32
      %dma_start3A_35 = arith.constant 0 : i32
      %dma_start3A_36 = tpu.memref_slice %arg6[%run_scoped3A, %dma_start3A_34, %dma_start3A_35] : memref<2x16x128xi32, #tpu.memory_space<vmem>> -> memref<1x16x128xi32, #tpu.memory_space<vmem>>
      %dma_start3A_37 = tpu.memref_squeeze %dma_start3A_36 : memref<1x16x128xi32, #tpu.memory_space<vmem>> -> memref<16x128xi32, #tpu.memory_space<vmem>>
      %dma_start3A_38 = arith.constant 0 : i32
      %dma_start3A_39 = tpu.memref_slice %arg2[%mul3A_5, %dma_start3A_38] : memref<2560x128xi32, #tpu.memory_space<hbm>> -> memref<16x128xi32, #tpu.memory_space<hbm>>
      tpu.enqueue_dma source(%dma_start3A_39 : memref<16x128xi32, #tpu.memory_space<hbm>>) target(%dma_start3A_37 : memref<16x128xi32, #tpu.memory_space<vmem>>) target_semaphore(%run_scoped3A_28 : memref<!tpu.dma_semaphore, #tpu.memory_space<semaphore_mem>>)
      %dma_wait3A = arith.constant 0 : i32
      %dma_wait3A_40 = arith.constant 0 : i32
      %dma_wait3A_41 = tpu.memref_slice %arg6[%run_scoped3A, %dma_wait3A, %dma_wait3A_40] : memref<2x16x128xi32, #tpu.memory_space<vmem>> -> memref<1x16x128xi32, #tpu.memory_space<vmem>>
      %dma_wait3A_42 = tpu.memref_squeeze %dma_wait3A_41 : memref<1x16x128xi32, #tpu.memory_space<vmem>> -> memref<16x128xi32, #tpu.memory_space<vmem>>
      %dma_wait3A_43 = arith.constant 0 : i32
      %dma_wait3A_44 = tpu.memref_slice %arg2[%mul3A_5, %dma_wait3A_43] : memref<2560x128xi32, #tpu.memory_space<hbm>> -> memref<16x128xi32, #tpu.memory_space<hbm>>
      %dma_wait3A_45 = arith.constant 0 : i32
      %dma_wait3A_46 = arith.constant 0 : i32
      %dma_wait3A_47 = tpu.memref_slice %arg6[%run_scoped3A, %dma_wait3A_45, %dma_wait3A_46] : memref<2x16x128xi32, #tpu.memory_space<vmem>> -> memref<1x16x128xi32, #tpu.memory_space<vmem>>
      %dma_wait3A_48 = tpu.memref_squeeze %dma_wait3A_47 : memref<1x16x128xi32, #tpu.memory_space<vmem>> -> memref<16x128xi32, #tpu.memory_space<vmem>>
      %dma_wait3A_49 = arith.constant 0 : i32
      %dma_wait3A_50 = tpu.memref_slice %arg2[%mul3A_5, %dma_wait3A_49] : memref<2560x128xi32, #tpu.memory_space<hbm>> -> memref<16x128xi32, #tpu.memory_space<hbm>>
      tpu.wait_dma2 semaphore(%run_scoped3A_28 : memref<!tpu.dma_semaphore, #tpu.memory_space<semaphore_mem>>) src(%dma_wait3A_50 : memref<16x128xi32, #tpu.memory_space<hbm>>) dst(%dma_wait3A_48 : memref<16x128xi32, #tpu.memory_space<vmem>>)
      tpu.yield
    }) : () -> ()
    %run_scoped3A_6 = arith.constant 0 : i32
    "tpu.region"() ({
      %run_scoped3A_28 = tpu.sem_alloc : memref<!tpu.dma_semaphore, #tpu.memory_space<semaphore_mem>>
      %dma_start3A = arith.constant 0 : i32
      %dma_start3A_29 = arith.constant 0 : i32
      %dma_start3A_30 = tpu.memref_slice %arg7[%run_scoped3A_6, %dma_start3A, %dma_start3A_29] : memref<2x16x128xi32, #tpu.memory_space<vmem>> -> memref<1x16x128xi32, #tpu.memory_space<vmem>>
      %dma_start3A_31 = tpu.memref_squeeze %dma_start3A_30 : memref<1x16x128xi32, #tpu.memory_space<vmem>> -> memref<16x128xi32, #tpu.memory_space<vmem>>
      %dma_start3A_32 = arith.constant 0 : i32
      %dma_start3A_33 = tpu.memref_slice %arg3[%mul3A_5, %dma_start3A_32] : memref<2560x128xi32, #tpu.memory_space<hbm>> -> memref<16x128xi32, #tpu.memory_space<hbm>>
      %dma_start3A_34 = arith.constant 0 : i32
      %dma_start3A_35 = arith.constant 0 : i32
      %dma_start3A_36 = tpu.memref_slice %arg7[%run_scoped3A_6, %dma_start3A_34, %dma_start3A_35] : memref<2x16x128xi32, #tpu.memory_space<vmem>> -> memref<1x16x128xi32, #tpu.memory_space<vmem>>
      %dma_start3A_37 = tpu.memref_squeeze %dma_start3A_36 : memref<1x16x128xi32, #tpu.memory_space<vmem>> -> memref<16x128xi32, #tpu.memory_space<vmem>>
      %dma_start3A_38 = arith.constant 0 : i32
      %dma_start3A_39 = tpu.memref_slice %arg3[%mul3A_5, %dma_start3A_38] : memref<2560x128xi32, #tpu.memory_space<hbm>> -> memref<16x128xi32, #tpu.memory_space<hbm>>
      tpu.enqueue_dma source(%dma_start3A_39 : memref<16x128xi32, #tpu.memory_space<hbm>>) target(%dma_start3A_37 : memref<16x128xi32, #tpu.memory_space<vmem>>) target_semaphore(%run_scoped3A_28 : memref<!tpu.dma_semaphore, #tpu.memory_space<semaphore_mem>>)
      %dma_wait3A = arith.constant 0 : i32
      %dma_wait3A_40 = arith.constant 0 : i32
      %dma_wait3A_41 = tpu.memref_slice %arg7[%run_scoped3A_6, %dma_wait3A, %dma_wait3A_40] : memref<2x16x128xi32, #tpu.memory_space<vmem>> -> memref<1x16x128xi32, #tpu.memory_space<vmem>>
      %dma_wait3A_42 = tpu.memref_squeeze %dma_wait3A_41 : memref<1x16x128xi32, #tpu.memory_space<vmem>> -> memref<16x128xi32, #tpu.memory_space<vmem>>
      %dma_wait3A_43 = arith.constant 0 : i32
      %dma_wait3A_44 = tpu.memref_slice %arg3[%mul3A_5, %dma_wait3A_43] : memref<2560x128xi32, #tpu.memory_space<hbm>> -> memref<16x128xi32, #tpu.memory_space<hbm>>
      %dma_wait3A_45 = arith.constant 0 : i32
      %dma_wait3A_46 = arith.constant 0 : i32
      %dma_wait3A_47 = tpu.memref_slice %arg7[%run_scoped3A_6, %dma_wait3A_45, %dma_wait3A_46] : memref<2x16x128xi32, #tpu.memory_space<vmem>> -> memref<1x16x128xi32, #tpu.memory_space<vmem>>
      %dma_wait3A_48 = tpu.memref_squeeze %dma_wait3A_47 : memref<1x16x128xi32, #tpu.memory_space<vmem>> -> memref<16x128xi32, #tpu.memory_space<vmem>>
      %dma_wait3A_49 = arith.constant 0 : i32
      %dma_wait3A_50 = tpu.memref_slice %arg3[%mul3A_5, %dma_wait3A_49] : memref<2560x128xi32, #tpu.memory_space<hbm>> -> memref<16x128xi32, #tpu.memory_space<hbm>>
      tpu.wait_dma2 semaphore(%run_scoped3A_28 : memref<!tpu.dma_semaphore, #tpu.memory_space<semaphore_mem>>) src(%dma_wait3A_50 : memref<16x128xi32, #tpu.memory_space<hbm>>) dst(%dma_wait3A_48 : memref<16x128xi32, #tpu.memory_space<vmem>>)
      tpu.yield
    }) : () -> ()
    %scan3A = arith.constant 0 : i32
    %scan3A_7 = arith.constant 0 : i32
    %scan3A_8 = arith.constant 1024 : i32
    %scan3A_9 = arith.addi %scan3A_7, %scan3A_8 : i32
    %scan3A_10 = arith.constant 1 : i32
    %scan3A_11 = scf.for %scan3A_28 = %scan3A_7 to %scan3A_9 step %scan3A_10 iter_args(%scan3A_29 = %scan3A) -> (i32)  : i32 {
      %jit3A = arith.constant 8 : i32
      %div3A = arith.divsi %scan3A_28, %jit3A : i32
      %sign3A = arith.constant 0 : i32
      %sign3A_30 = arith.cmpi sgt, %scan3A_28, %sign3A : i32
      %sign3A_31 = arith.extui %sign3A_30 : i1 to i32
      %sign3A_32 = arith.constant 0 : i32
      %sign3A_33 = arith.cmpi slt, %scan3A_28, %sign3A_32 : i32
      %sign3A_34 = arith.extui %sign3A_33 : i1 to i32
      %sign3A_35 = arith.subi %sign3A_31, %sign3A_34 : i32
      %sign3A_36 = arith.constant 0 : i32
      %sign3A_37 = arith.cmpi sgt, %jit3A, %sign3A_36 : i32
      %sign3A_38 = arith.extui %sign3A_37 : i1 to i32
      %sign3A_39 = arith.constant 0 : i32
      %sign3A_40 = arith.cmpi slt, %jit3A, %sign3A_39 : i32
      %sign3A_41 = arith.extui %sign3A_40 : i1 to i32
      %sign3A_42 = arith.subi %sign3A_38, %sign3A_41 : i32
      %ne3A = arith.cmpi ne, %sign3A_35, %sign3A_42 : i32
      %rem3A = arith.remsi %scan3A_28, %jit3A : i32
      %ne3A_43 = arith.constant 0 : i32
      %ne3A_44 = arith.cmpi ne, %rem3A, %ne3A_43 : i32
      %and3A = arith.andi %ne3A, %ne3A_44 : i1
      %sub3A = arith.constant 1 : i32
      %sub3A_45 = arith.subi %div3A, %sub3A : i32
      %select_n3A = arith.select %and3A, %sub3A_45, %div3A : i32
      %jit3A_46 = arith.constant 8 : i32
      %eq3A = arith.constant 0 : i32
      %eq3A_47 = arith.cmpi eq, %jit3A_46, %eq3A : i32
      %jit3A_48 = arith.constant 1 : i32
      %select_n3A_49 = arith.select %eq3A_47, %jit3A_48, %jit3A_46 : i32
      %rem3A_50 = arith.remsi %scan3A_28, %select_n3A_49 : i32
      %ne3A_51 = arith.constant 0 : i32
      %ne3A_52 = arith.cmpi ne, %rem3A_50, %ne3A_51 : i32
      %lt3A = arith.constant 0 : i32
      %lt3A_53 = arith.cmpi slt, %rem3A_50, %lt3A : i32
      %lt3A_54 = arith.constant 0 : i32
      %lt3A_55 = arith.cmpi slt, %select_n3A_49, %lt3A_54 : i32
      %ne3A_56 = arith.xori %lt3A_53, %lt3A_55 : i1
      %and3A_57 = arith.andi %ne3A_56, %ne3A_52 : i1
      %add3A_58 = arith.addi %rem3A_50, %select_n3A_49 : i32
      %select_n3A_59 = arith.select %and3A_57, %add3A_58, %rem3A_50 : i32
      %mul3A_60 = arith.constant 16 : i32
      %mul3A_61 = arith.muli %select_n3A_59, %mul3A_60 : i32
      %swap3A = arith.constant 0 : i32
      %swap3A_62 = arith.index_cast %swap3A : i32 to index
      %swap3A_63 = arith.index_cast %select_n3A : i32 to index
      %swap3A_64 = arith.index_cast %mul3A_61 : i32 to index
      %swap3A_65 = tpu.vector_load %arg8[%swap3A_62, %swap3A_63, %swap3A_64] {strides = array<i32>} : memref<2x128x128xf32, #tpu.memory_space<vmem>>, vector<1x1x16xf32>,
      %swap3A_66 = vector.shape_cast %swap3A_65 : vector<1x1x16xf32> to vector<16xf32>
      %swap3A_67 = vector.shape_cast %broadcast_in_dim3A_1 : vector<16xf32> to vector<1x1x16xf32>
      tpu.vector_store %arg8[%swap3A_62, %swap3A_63, %swap3A_64], %swap3A_67 {strides = array<i32>} : memref<2x128x128xf32, #tpu.memory_space<vmem>>, vector<1x1x16xf32>,
      %scan3A_68 = arith.constant 0 : i32
      scf.yield %scan3A_68 : i32
    }
    %scan3A_12 = arith.constant 1024 : i32
    %scan3A_13 = arith.constant 0 : i32
    %scan3A_14 = arith.constant 0 : i32
    %scan3A_15 = arith.constant 5 : i32
    %scan3A_16 = arith.addi %scan3A_14, %scan3A_15 : i32
    %scan3A_17 = arith.constant 1 : i32
    %scan3A_18 = scf.for %scan3A_28 = %scan3A_14 to %scan3A_16 step %scan3A_17 iter_args(%scan3A_29 = %scan3A_13) -> (i32)  : i32 {
      %mul3A_30 = arith.constant 128 : i32
      %mul3A_31 = arith.muli %scan3A_28, %mul3A_30 : i32
      %add3A_32 = arith.addi %mul3A_3, %mul3A_31 : i32
      %run_scoped3A_33 = arith.constant 0 : i32
      "tpu.region"() ({
        %run_scoped3A_35 = tpu.sem_alloc : memref<!tpu.dma_semaphore, #tpu.memory_space<semaphore_mem>>
        %dma_start3A = arith.constant 0 : i32
        %dma_start3A_36 = arith.constant 0 : i32
        %dma_start3A_37 = tpu.memref_slice %arg8[%run_scoped3A_33, %dma_start3A, %dma_start3A_36] : memref<2x128x128xf32, #tpu.memory_space<vmem>> -> memref<1x128x128xf32, #tpu.memory_space<vmem>>
        %dma_start3A_38 = tpu.memref_squeeze %dma_start3A_37 : memref<1x128x128xf32, #tpu.memory_space<vmem>> -> memref<128x128xf32, #tpu.memory_space<vmem>>
        %dma_start3A_39 = arith.constant 0 : i32
        %dma_start3A_40 = tpu.memref_slice %arg13[%add3A_32, %dma_start3A_39] : memref<10240x128xf32, #tpu.memory_space<vmem_shared>> -> memref<128x128xf32, #tpu.memory_space<vmem_shared>>
        %dma_start3A_41 = arith.constant 0 : i32
        %dma_start3A_42 = tpu.memref_slice %arg13[%add3A_32, %dma_start3A_41] : memref<10240x128xf32, #tpu.memory_space<vmem_shared>> -> memref<128x128xf32, #tpu.memory_space<vmem_shared>>
        %dma_start3A_43 = arith.constant 0 : i32
        %dma_start3A_44 = arith.constant 0 : i32
        %dma_start3A_45 = tpu.memref_slice %arg8[%run_scoped3A_33, %dma_start3A_43, %dma_start3A_44] : memref<2x128x128xf32, #tpu.memory_space<vmem>> -> memref<1x128x128xf32, #tpu.memory_space<vmem>>
        %dma_start3A_46 = tpu.memref_squeeze %dma_start3A_45 : memref<1x128x128xf32, #tpu.memory_space<vmem>> -> memref<128x128xf32, #tpu.memory_space<vmem>>
        tpu.enqueue_dma source(%dma_start3A_46 : memref<128x128xf32, #tpu.memory_space<vmem>>) target(%dma_start3A_42 : memref<128x128xf32, #tpu.memory_space<vmem_shared>>) target_semaphore(%run_scoped3A_35 : memref<!tpu.dma_semaphore, #tpu.memory_space<semaphore_mem>>)
        %dma_wait3A = arith.constant 0 : i32
        %dma_wait3A_47 = arith.constant 0 : i32
        %dma_wait3A_48 = tpu.memref_slice %arg8[%run_scoped3A_33, %dma_wait3A, %dma_wait3A_47] : memref<2x128x128xf32, #tpu.memory_space<vmem>> -> memref<1x128x128xf32, #tpu.memory_space<vmem>>
        %dma_wait3A_49 = tpu.memref_squeeze %dma_wait3A_48 : memref<1x128x128xf32, #tpu.memory_space<vmem>> -> memref<128x128xf32, #tpu.memory_space<vmem>>
        %dma_wait3A_50 = arith.constant 0 : i32
        %dma_wait3A_51 = tpu.memref_slice %arg13[%add3A_32, %dma_wait3A_50] : memref<10240x128xf32, #tpu.memory_space<vmem_shared>> -> memref<128x128xf32, #tpu.memory_space<vmem_shared>>
        %dma_wait3A_52 = arith.constant 0 : i32
        %dma_wait3A_53 = tpu.memref_slice %arg13[%add3A_32, %dma_wait3A_52] : memref<10240x128xf32, #tpu.memory_space<vmem_shared>> -> memref<128x128xf32, #tpu.memory_space<vmem_shared>>
        %dma_wait3A_54 = arith.constant 0 : i32
        %dma_wait3A_55 = arith.constant 0 : i32
        %dma_wait3A_56 = tpu.memref_slice %arg8[%run_scoped3A_33, %dma_wait3A_54, %dma_wait3A_55] : memref<2x128x128xf32, #tpu.memory_space<vmem>> -> memref<1x128x128xf32, #tpu.memory_space<vmem>>
        %dma_wait3A_57 = tpu.memref_squeeze %dma_wait3A_56 : memref<1x128x128xf32, #tpu.memory_space<vmem>> -> memref<128x128xf32, #tpu.memory_space<vmem>>
        tpu.wait_dma2 semaphore(%run_scoped3A_35 : memref<!tpu.dma_semaphore, #tpu.memory_space<semaphore_mem>>) src(%dma_wait3A_57 : memref<128x128xf32, #tpu.memory_space<vmem>>) dst(%dma_wait3A_53 : memref<128x128xf32, #tpu.memory_space<vmem_shared>>)
        tpu.yield
      }) : () -> ()
      %scan3A_34 = arith.constant 0 : i32
      scf.yield %scan3A_34 : i32
    }
    %scan3A_19 = arith.constant 5 : i32
    %barrier3A = arith.constant 0 : index
    tpu.barrier barrier_id(%barrier3A)
    %scan3A_20 = arith.constant 0 : i32
    %scan3A_21 = arith.constant 0 : i32
    %scan3A_22 = arith.constant 5 : i32
    %scan3A_23 = arith.addi %scan3A_21, %scan3A_22 : i32
    %scan3A_24 = arith.constant 1 : i32
    %scan3A_25 = scf.for %scan3A_28 = %scan3A_21 to %scan3A_23 step %scan3A_24 iter_args(%scan3A_29 = %scan3A_20) -> (i32)  : i32 {
      %jit3A = arith.constant 2 : i32
      %eq3A = arith.constant 0 : i32
      %eq3A_30 = arith.cmpi eq, %jit3A, %eq3A : i32
      %jit3A_31 = arith.constant 1 : i32
      %select_n3A = arith.select %eq3A_30, %jit3A_31, %jit3A : i32
      %rem3A = arith.remsi %scan3A_28, %select_n3A : i32
      %ne3A = arith.constant 0 : i32
      %ne3A_32 = arith.cmpi ne, %rem3A, %ne3A : i32
      %lt3A = arith.constant 0 : i32
      %lt3A_33 = arith.cmpi slt, %rem3A, %lt3A : i32
      %lt3A_34 = arith.constant 0 : i32
      %lt3A_35 = arith.cmpi slt, %select_n3A, %lt3A_34 : i32
      %ne3A_36 = arith.xori %lt3A_33, %lt3A_35 : i1
      %and3A = arith.andi %ne3A_36, %ne3A_32 : i1
      %add3A_37 = arith.addi %rem3A, %select_n3A : i32
      %select_n3A_38 = arith.select %and3A, %add3A_37, %rem3A : i32
      %add3A_39 = arith.constant 1 : i32
      %add3A_40 = arith.addi %scan3A_28, %add3A_39 : i32
      %jit3A_41 = arith.constant 2 : i32
      %eq3A_42 = arith.constant 0 : i32
      %eq3A_43 = arith.cmpi eq, %jit3A_41, %eq3A_42 : i32
      %jit3A_44 = arith.constant 1 : i32
      %select_n3A_45 = arith.select %eq3A_43, %jit3A_44, %jit3A_41 : i32
      %rem3A_46 = arith.remsi %add3A_40, %select_n3A_45 : i32
      %ne3A_47 = arith.constant 0 : i32
      %ne3A_48 = arith.cmpi ne, %rem3A_46, %ne3A_47 : i32
      %lt3A_49 = arith.constant 0 : i32
      %lt3A_50 = arith.cmpi slt, %rem3A_46, %lt3A_49 : i32
      %lt3A_51 = arith.constant 0 : i32
      %lt3A_52 = arith.cmpi slt, %select_n3A_45, %lt3A_51 : i32
      %ne3A_53 = arith.xori %lt3A_50, %lt3A_52 : i1
      %and3A_54 = arith.andi %ne3A_53, %ne3A_48 : i1
      %add3A_55 = arith.addi %rem3A_46, %select_n3A_45 : i32
      %select_n3A_56 = arith.select %and3A_54, %add3A_55, %rem3A_46 : i32
      %add3A_57 = arith.constant 1 : i32
      %add3A_58 = arith.addi %scan3A_28, %add3A_57 : i32
      %lt3A_59 = arith.constant 5 : i32
      %lt3A_60 = arith.cmpi slt, %add3A_58, %lt3A_59 : i32
      %convert_element_type3A = arith.extui %lt3A_60 : i1 to i32
      %cond3A = arith.constant 0 : i32
      %cond3A_61 = arith.cmpi ne, %convert_element_type3A, %cond3A : i32
      scf.if %cond3A_61 {
        %add3A_171 = arith.constant 1 : i32
        %add3A_172 = arith.addi %scan3A_28, %add3A_171 : i32
        %mul3A_173 = arith.constant 16 : i32
        %mul3A_174 = arith.muli %add3A_172, %mul3A_173 : i32
        %add3A_175 = arith.addi %mul3A_5, %mul3A_174 : i32
        %dma_start3A_176 = arith.constant 0 : i32
        %dma_start3A_177 = arith.constant 0 : i32
        %dma_start3A_178 = tpu.memref_slice %arg6[%select_n3A_56, %dma_start3A_176, %dma_start3A_177] : memref<2x16x128xi32, #tpu.memory_space<vmem>> -> memref<1x16x128xi32, #tpu.memory_space<vmem>>
        %dma_start3A_179 = tpu.memref_squeeze %dma_start3A_178 : memref<1x16x128xi32, #tpu.memory_space<vmem>> -> memref<16x128xi32, #tpu.memory_space<vmem>>
        %dma_start3A_180 = arith.constant 0 : i32
        %dma_start3A_181 = tpu.memref_slice %arg2[%add3A_175, %dma_start3A_180] : memref<2560x128xi32, #tpu.memory_space<hbm>> -> memref<16x128xi32, #tpu.memory_space<hbm>>
        %dma_start3A_182 = arith.constant 0 : i32
        %dma_start3A_183 = arith.constant 0 : i32
        %dma_start3A_184 = tpu.memref_slice %arg6[%select_n3A_56, %dma_start3A_182, %dma_start3A_183] : memref<2x16x128xi32, #tpu.memory_space<vmem>> -> memref<1x16x128xi32, #tpu.memory_space<vmem>>
        %dma_start3A_185 = tpu.memref_squeeze %dma_start3A_184 : memref<1x16x128xi32, #tpu.memory_space<vmem>> -> memref<16x128xi32, #tpu.memory_space<vmem>>
        %dma_start3A_186 = arith.constant 0 : i32
        %dma_start3A_187 = tpu.memref_slice %arg2[%add3A_175, %dma_start3A_186] : memref<2560x128xi32, #tpu.memory_space<hbm>> -> memref<16x128xi32, #tpu.memory_space<hbm>>
        tpu.enqueue_dma source(%dma_start3A_187 : memref<16x128xi32, #tpu.memory_space<hbm>>) target(%dma_start3A_185 : memref<16x128xi32, #tpu.memory_space<vmem>>) target_semaphore(%arg9 : memref<!tpu.dma_semaphore, #tpu.memory_space<semaphore_mem>>)
        %add3A_188 = arith.constant 1 : i32
        %add3A_189 = arith.addi %scan3A_28, %add3A_188 : i32
        %mul3A_190 = arith.constant 16 : i32
        %mul3A_191 = arith.muli %add3A_189, %mul3A_190 : i32
        %add3A_192 = arith.addi %mul3A_5, %mul3A_191 : i32
        %dma_start3A_193 = arith.constant 0 : i32
        %dma_start3A_194 = arith.constant 0 : i32
        %dma_start3A_195 = tpu.memref_slice %arg7[%select_n3A_56, %dma_start3A_193, %dma_start3A_194] : memref<2x16x128xi32, #tpu.memory_space<vmem>> -> memref<1x16x128xi32, #tpu.memory_space<vmem>>
        %dma_start3A_196 = tpu.memref_squeeze %dma_start3A_195 : memref<1x16x128xi32, #tpu.memory_space<vmem>> -> memref<16x128xi32, #tpu.memory_space<vmem>>
        %dma_start3A_197 = arith.constant 0 : i32
        %dma_start3A_198 = tpu.memref_slice %arg3[%add3A_192, %dma_start3A_197] : memref<2560x128xi32, #tpu.memory_space<hbm>> -> memref<16x128xi32, #tpu.memory_space<hbm>>
        %dma_start3A_199 = arith.constant 0 : i32
        %dma_start3A_200 = arith.constant 0 : i32
        %dma_start3A_201 = tpu.memref_slice %arg7[%select_n3A_56, %dma_start3A_199, %dma_start3A_200] : memref<2x16x128xi32, #tpu.memory_space<vmem>> -> memref<1x16x128xi32, #tpu.memory_space<vmem>>
        %dma_start3A_202 = tpu.memref_squeeze %dma_start3A_201 : memref<1x16x128xi32, #tpu.memory_space<vmem>> -> memref<16x128xi32, #tpu.memory_space<vmem>>
        %dma_start3A_203 = arith.constant 0 : i32
        %dma_start3A_204 = tpu.memref_slice %arg3[%add3A_192, %dma_start3A_203] : memref<2560x128xi32, #tpu.memory_space<hbm>> -> memref<16x128xi32, #tpu.memory_space<hbm>>
        tpu.enqueue_dma source(%dma_start3A_204 : memref<16x128xi32, #tpu.memory_space<hbm>>) target(%dma_start3A_202 : memref<16x128xi32, #tpu.memory_space<vmem>>) target_semaphore(%arg9 : memref<!tpu.dma_semaphore, #tpu.memory_space<semaphore_mem>>)
      } else {
      }
      %dma_start3A = arith.constant 0 : i32
      %dma_start3A_62 = arith.constant 0 : i32
      %dma_start3A_63 = arith.constant 0 : i32
      %dma_start3A_64 = arith.constant 0 : i32
      %dma_start3A_65 = tpu.memref_slice %arg8[%dma_start3A_62, %dma_start3A_63, %dma_start3A_64] : memref<2x128x128xf32, #tpu.memory_space<vmem>> -> memref<1x128x128xf32, #tpu.memory_space<vmem>>
      %dma_start3A_66 = tpu.memref_squeeze %dma_start3A_65 : memref<1x128x128xf32, #tpu.memory_space<vmem>> -> memref<128x128xf32, #tpu.memory_space<vmem>>
      %dma_start3A_67 = arith.constant 0 : i32
      %dma_start3A_68 = tpu.memref_slice %arg6[%select_n3A_38, %dma_start3A, %dma_start3A_67] : memref<2x16x128xi32, #tpu.memory_space<vmem>> -> memref<1x1x128xi32, #tpu.memory_space<vmem>>
      %dma_start3A_69 = tpu.memref_squeeze %dma_start3A_68 : memref<1x1x128xi32, #tpu.memory_space<vmem>> -> memref<128xi32, #tpu.memory_space<vmem>>
      %dma_start3A_70 = arith.constant 0 : i32
      %dma_start3A_71 = arith.constant 0 : i32
      %dma_start3A_72 = tpu.memref_slice %arg4[%dma_start3A_70, %dma_start3A_71] : memref<10000x128xf32, #tpu.memory_space<hbm>> -> memref<10000x128xf32, #tpu.memory_space<hbm>>
      tpu.enqueue_indirect_dma source(%dma_start3A_72 : memref<10000x128xf32, #tpu.memory_space<hbm>>) target(%dma_start3A_66 : memref<128x128xf32, #tpu.memory_space<vmem>>) offsets(%dma_start3A_69 : memref<128xi32, #tpu.memory_space<vmem>>) semaphore(%arg10 : memref<!tpu.dma_semaphore, #tpu.memory_space<semaphore_mem>>)
      %dma_start3A_73 = arith.constant 1 : i32
      %dma_start3A_74 = arith.constant 1 : i32
      %dma_start3A_75 = arith.constant 0 : i32
      %dma_start3A_76 = arith.constant 0 : i32
      %dma_start3A_77 = tpu.memref_slice %arg8[%dma_start3A_74, %dma_start3A_75, %dma_start3A_76] : memref<2x128x128xf32, #tpu.memory_space<vmem>> -> memref<1x128x128xf32, #tpu.memory_space<vmem>>
      %dma_start3A_78 = tpu.memref_squeeze %dma_start3A_77 : memref<1x128x128xf32, #tpu.memory_space<vmem>> -> memref<128x128xf32, #tpu.memory_space<vmem>>
      %dma_start3A_79 = arith.constant 0 : i32
      %dma_start3A_80 = tpu.memref_slice %arg6[%select_n3A_38, %dma_start3A_73, %dma_start3A_79] : memref<2x16x128xi32, #tpu.memory_space<vmem>> -> memref<1x1x128xi32, #tpu.memory_space<vmem>>
      %dma_start3A_81 = tpu.memref_squeeze %dma_start3A_80 : memref<1x1x128xi32, #tpu.memory_space<vmem>> -> memref<128xi32, #tpu.memory_space<vmem>>
      %dma_start3A_82 = arith.constant 0 : i32
      %dma_start3A_83 = arith.constant 0 : i32
      %dma_start3A_84 = tpu.memref_slice %arg4[%dma_start3A_82, %dma_start3A_83] : memref<10000x128xf32, #tpu.memory_space<hbm>> -> memref<10000x128xf32, #tpu.memory_space<hbm>>
      tpu.enqueue_indirect_dma source(%dma_start3A_84 : memref<10000x128xf32, #tpu.memory_space<hbm>>) target(%dma_start3A_78 : memref<128x128xf32, #tpu.memory_space<vmem>>) offsets(%dma_start3A_81 : memref<128xi32, #tpu.memory_space<vmem>>) semaphore(%arg11 : memref<!tpu.dma_semaphore, #tpu.memory_space<semaphore_mem>>)
      %scan3A_85 = arith.constant 0 : i32
      %scan3A_86 = arith.constant 0 : i32
      %scan3A_87 = arith.constant 7 : i32
      %scan3A_88 = arith.addi %scan3A_86, %scan3A_87 : i32
      %scan3A_89 = arith.constant 1 : i32
      %scan3A_90 = scf.for %scan3A_171 = %scan3A_86 to %scan3A_88 step %scan3A_89 iter_args(%scan3A_172 = %scan3A_85) -> (i32)  : i32 {
        %mul3A_173 = arith.constant 2 : i32
        %mul3A_174 = arith.muli %scan3A_171, %mul3A_173 : i32
        %add3A_175 = arith.constant 0 : i32
        %add3A_176 = arith.addi %mul3A_174, %add3A_175 : i32
        %dma_wait3A_177 = arith.constant 0 : i32
        %dma_wait3A_178 = arith.constant 0 : i32
        %dma_wait3A_179 = arith.constant 0 : i32
        %dma_wait3A_180 = tpu.memref_slice %arg8[%dma_wait3A_177, %dma_wait3A_178, %dma_wait3A_179] : memref<2x128x128xf32, #tpu.memory_space<vmem>> -> memref<1x128x128xf32, #tpu.memory_space<vmem>>
        %dma_wait3A_181 = tpu.memref_squeeze %dma_wait3A_180 : memref<1x128x128xf32, #tpu.memory_space<vmem>> -> memref<128x128xf32, #tpu.memory_space<vmem>>
        %dma_wait3A_182 = arith.constant 0 : i32
        %dma_wait3A_183 = tpu.memref_slice %arg6[%select_n3A_38, %add3A_176, %dma_wait3A_182] : memref<2x16x128xi32, #tpu.memory_space<vmem>> -> memref<1x1x128xi32, #tpu.memory_space<vmem>>
        %dma_wait3A_184 = tpu.memref_squeeze %dma_wait3A_183 : memref<1x1x128xi32, #tpu.memory_space<vmem>> -> memref<128xi32, #tpu.memory_space<vmem>>
        %dma_wait3A_185 = arith.constant 0 : i32
        %dma_wait3A_186 = arith.constant 0 : i32
        %dma_wait3A_187 = tpu.memref_slice %arg4[%dma_wait3A_185, %dma_wait3A_186] : memref<10000x128xf32, #tpu.memory_space<hbm>> -> memref<10000x128xf32, #tpu.memory_space<hbm>>
        tpu.wait_indirect_dma semaphore(%arg10 : memref<!tpu.dma_semaphore, #tpu.memory_space<semaphore_mem>>) src(%dma_wait3A_187 : memref<10000x128xf32, #tpu.memory_space<hbm>>) dst(%dma_wait3A_181 : memref<128x128xf32, #tpu.memory_space<vmem>>)
        %dma_start3A_188 = arith.constant 0 : i32
        %dma_start3A_189 = arith.constant 0 : i32
        %dma_start3A_190 = arith.constant 0 : i32
        %dma_start3A_191 = tpu.memref_slice %arg8[%dma_start3A_188, %dma_start3A_189, %dma_start3A_190] : memref<2x128x128xf32, #tpu.memory_space<vmem>> -> memref<1x128x128xf32, #tpu.memory_space<vmem>>
        %dma_start3A_192 = tpu.memref_squeeze %dma_start3A_191 : memref<1x128x128xf32, #tpu.memory_space<vmem>> -> memref<128x128xf32, #tpu.memory_space<vmem>>
        %dma_start3A_193 = arith.constant 0 : i32
        %dma_start3A_194 = tpu.memref_slice %arg7[%select_n3A_38, %add3A_176, %dma_start3A_193] : memref<2x16x128xi32, #tpu.memory_space<vmem>> -> memref<1x1x128xi32, #tpu.memory_space<vmem>>
        %dma_start3A_195 = tpu.memref_squeeze %dma_start3A_194 : memref<1x1x128xi32, #tpu.memory_space<vmem>> -> memref<128xi32, #tpu.memory_space<vmem>>
        %dma_start3A_196 = arith.constant 0 : i32
        %dma_start3A_197 = arith.constant 0 : i32
        %dma_start3A_198 = tpu.memref_slice %arg13[%dma_start3A_196, %dma_start3A_197] : memref<10240x128xf32, #tpu.memory_space<vmem_shared>> -> memref<10240x128xf32, #tpu.memory_space<vmem_shared>>
        tpu.enqueue_indirect_dma source(%dma_start3A_192 : memref<128x128xf32, #tpu.memory_space<vmem>>) target(%dma_start3A_198 : memref<10240x128xf32, #tpu.memory_space<vmem_shared>>) offsets(%dma_start3A_195 : memref<128xi32, #tpu.memory_space<vmem>>) semaphore(%arg12 : memref<!tpu.dma_semaphore, #tpu.memory_space<semaphore_mem>>) {add = true}
        %dma_wait3A_199 = arith.constant 0 : i32
        %dma_wait3A_200 = arith.constant 0 : i32
        %dma_wait3A_201 = arith.constant 0 : i32
        %dma_wait3A_202 = tpu.memref_slice %arg8[%dma_wait3A_199, %dma_wait3A_200, %dma_wait3A_201] : memref<2x128x128xf32, #tpu.memory_space<vmem>> -> memref<1x128x128xf32, #tpu.memory_space<vmem>>
        %dma_wait3A_203 = tpu.memref_squeeze %dma_wait3A_202 : memref<1x128x128xf32, #tpu.memory_space<vmem>> -> memref<128x128xf32, #tpu.memory_space<vmem>>
        %dma_wait3A_204 = arith.constant 0 : i32
        %dma_wait3A_205 = tpu.memref_slice %arg7[%select_n3A_38, %add3A_176, %dma_wait3A_204] : memref<2x16x128xi32, #tpu.memory_space<vmem>> -> memref<1x1x128xi32, #tpu.memory_space<vmem>>
        %dma_wait3A_206 = tpu.memref_squeeze %dma_wait3A_205 : memref<1x1x128xi32, #tpu.memory_space<vmem>> -> memref<128xi32, #tpu.memory_space<vmem>>
        %dma_wait3A_207 = arith.constant 0 : i32
        %dma_wait3A_208 = arith.constant 0 : i32
        %dma_wait3A_209 = tpu.memref_slice %arg13[%dma_wait3A_207, %dma_wait3A_208] : memref<10240x128xf32, #tpu.memory_space<vmem_shared>> -> memref<10240x128xf32, #tpu.memory_space<vmem_shared>>
        tpu.wait_indirect_dma semaphore(%arg12 : memref<!tpu.dma_semaphore, #tpu.memory_space<semaphore_mem>>) src(%dma_wait3A_203 : memref<128x128xf32, #tpu.memory_space<vmem>>) dst(%dma_wait3A_209 : memref<10240x128xf32, #tpu.memory_space<vmem_shared>>)
        %add3A_210 = arith.constant 2 : i32
        %add3A_211 = arith.addi %add3A_176, %add3A_210 : i32
        %dma_start3A_212 = arith.constant 0 : i32
        %dma_start3A_213 = arith.constant 0 : i32
        %dma_start3A_214 = arith.constant 0 : i32
        %dma_start3A_215 = tpu.memref_slice %arg8[%dma_start3A_212, %dma_start3A_213, %dma_start3A_214] : memref<2x128x128xf32, #tpu.memory_space<vmem>> -> memref<1x128x128xf32, #tpu.memory_space<vmem>>
        %dma_start3A_216 = tpu.memref_squeeze %dma_start3A_215 : memref<1x128x128xf32, #tpu.memory_space<vmem>> -> memref<128x128xf32, #tpu.memory_space<vmem>>
        %dma_start3A_217 = arith.constant 0 : i32
        %dma_start3A_218 = tpu.memref_slice %arg6[%select_n3A_38, %add3A_211, %dma_start3A_217] : memref<2x16x128xi32, #tpu.memory_space<vmem>> -> memref<1x1x128xi32, #tpu.memory_space<vmem>>
        %dma_start3A_219 = tpu.memref_squeeze %dma_start3A_218 : memref<1x1x128xi32, #tpu.memory_space<vmem>> -> memref<128xi32, #tpu.memory_space<vmem>>
        %dma_start3A_220 = arith.constant 0 : i32
        %dma_start3A_221 = arith.constant 0 : i32
        %dma_start3A_222 = tpu.memref_slice %arg4[%dma_start3A_220, %dma_start3A_221] : memref<10000x128xf32, #tpu.memory_space<hbm>> -> memref<10000x128xf32, #tpu.memory_space<hbm>>
        tpu.enqueue_indirect_dma source(%dma_start3A_222 : memref<10000x128xf32, #tpu.memory_space<hbm>>) target(%dma_start3A_216 : memref<128x128xf32, #tpu.memory_space<vmem>>) offsets(%dma_start3A_219 : memref<128xi32, #tpu.memory_space<vmem>>) semaphore(%arg10 : memref<!tpu.dma_semaphore, #tpu.memory_space<semaphore_mem>>)
        %mul3A_223 = arith.constant 2 : i32
        %mul3A_224 = arith.muli %scan3A_171, %mul3A_223 : i32
        %add3A_225 = arith.constant 1 : i32
        %add3A_226 = arith.addi %mul3A_224, %add3A_225 : i32
        %dma_wait3A_227 = arith.constant 1 : i32
        %dma_wait3A_228 = arith.constant 0 : i32
        %dma_wait3A_229 = arith.constant 0 : i32
        %dma_wait3A_230 = tpu.memref_slice %arg8[%dma_wait3A_227, %dma_wait3A_228, %dma_wait3A_229] : memref<2x128x128xf32, #tpu.memory_space<vmem>> -> memref<1x128x128xf32, #tpu.memory_space<vmem>>
        %dma_wait3A_231 = tpu.memref_squeeze %dma_wait3A_230 : memref<1x128x128xf32, #tpu.memory_space<vmem>> -> memref<128x128xf32, #tpu.memory_space<vmem>>
        %dma_wait3A_232 = arith.constant 0 : i32
        %dma_wait3A_233 = tpu.memref_slice %arg6[%select_n3A_38, %add3A_226, %dma_wait3A_232] : memref<2x16x128xi32, #tpu.memory_space<vmem>> -> memref<1x1x128xi32, #tpu.memory_space<vmem>>
        %dma_wait3A_234 = tpu.memref_squeeze %dma_wait3A_233 : memref<1x1x128xi32, #tpu.memory_space<vmem>> -> memref<128xi32, #tpu.memory_space<vmem>>
        %dma_wait3A_235 = arith.constant 0 : i32
        %dma_wait3A_236 = arith.constant 0 : i32
        %dma_wait3A_237 = tpu.memref_slice %arg4[%dma_wait3A_235, %dma_wait3A_236] : memref<10000x128xf32, #tpu.memory_space<hbm>> -> memref<10000x128xf32, #tpu.memory_space<hbm>>
        tpu.wait_indirect_dma semaphore(%arg11 : memref<!tpu.dma_semaphore, #tpu.memory_space<semaphore_mem>>) src(%dma_wait3A_237 : memref<10000x128xf32, #tpu.memory_space<hbm>>) dst(%dma_wait3A_231 : memref<128x128xf32, #tpu.memory_space<vmem>>)
        %dma_start3A_238 = arith.constant 1 : i32
        %dma_start3A_239 = arith.constant 0 : i32
        %dma_start3A_240 = arith.constant 0 : i32
        %dma_start3A_241 = tpu.memref_slice %arg8[%dma_start3A_238, %dma_start3A_239, %dma_start3A_240] : memref<2x128x128xf32, #tpu.memory_space<vmem>> -> memref<1x128x128xf32, #tpu.memory_space<vmem>>
        %dma_start3A_242 = tpu.memref_squeeze %dma_start3A_241 : memref<1x128x128xf32, #tpu.memory_space<vmem>> -> memref<128x128xf32, #tpu.memory_space<vmem>>
        %dma_start3A_243 = arith.constant 0 : i32
        %dma_start3A_244 = tpu.memref_slice %arg7[%select_n3A_38, %add3A_226, %dma_start3A_243] : memref<2x16x128xi32, #tpu.memory_space<vmem>> -> memref<1x1x128xi32, #tpu.memory_space<vmem>>
        %dma_start3A_245 = tpu.memref_squeeze %dma_start3A_244 : memref<1x1x128xi32, #tpu.memory_space<vmem>> -> memref<128xi32, #tpu.memory_space<vmem>>
        %dma_start3A_246 = arith.constant 0 : i32
        %dma_start3A_247 = arith.constant 0 : i32
        %dma_start3A_248 = tpu.memref_slice %arg13[%dma_start3A_246, %dma_start3A_247] : memref<10240x128xf32, #tpu.memory_space<vmem_shared>> -> memref<10240x128xf32, #tpu.memory_space<vmem_shared>>
        tpu.enqueue_indirect_dma source(%dma_start3A_242 : memref<128x128xf32, #tpu.memory_space<vmem>>) target(%dma_start3A_248 : memref<10240x128xf32, #tpu.memory_space<vmem_shared>>) offsets(%dma_start3A_245 : memref<128xi32, #tpu.memory_space<vmem>>) semaphore(%arg12 : memref<!tpu.dma_semaphore, #tpu.memory_space<semaphore_mem>>) {add = true}
        %dma_wait3A_249 = arith.constant 1 : i32
        %dma_wait3A_250 = arith.constant 0 : i32
        %dma_wait3A_251 = arith.constant 0 : i32
        %dma_wait3A_252 = tpu.memref_slice %arg8[%dma_wait3A_249, %dma_wait3A_250, %dma_wait3A_251] : memref<2x128x128xf32, #tpu.memory_space<vmem>> -> memref<1x128x128xf32, #tpu.memory_space<vmem>>
        %dma_wait3A_253 = tpu.memref_squeeze %dma_wait3A_252 : memref<1x128x128xf32, #tpu.memory_space<vmem>> -> memref<128x128xf32, #tpu.memory_space<vmem>>
        %dma_wait3A_254 = arith.constant 0 : i32
        %dma_wait3A_255 = tpu.memref_slice %arg7[%select_n3A_38, %add3A_226, %dma_wait3A_254] : memref<2x16x128xi32, #tpu.memory_space<vmem>> -> memref<1x1x128xi32, #tpu.memory_space<vmem>>
        %dma_wait3A_256 = tpu.memref_squeeze %dma_wait3A_255 : memref<1x1x128xi32, #tpu.memory_space<vmem>> -> memref<128xi32, #tpu.memory_space<vmem>>
        %dma_wait3A_257 = arith.constant 0 : i32
        %dma_wait3A_258 = arith.constant 0 : i32
        %dma_wait3A_259 = tpu.memref_slice %arg13[%dma_wait3A_257, %dma_wait3A_258] : memref<10240x128xf32, #tpu.memory_space<vmem_shared>> -> memref<10240x128xf32, #tpu.memory_space<vmem_shared>>
        tpu.wait_indirect_dma semaphore(%arg12 : memref<!tpu.dma_semaphore, #tpu.memory_space<semaphore_mem>>) src(%dma_wait3A_253 : memref<128x128xf32, #tpu.memory_space<vmem>>) dst(%dma_wait3A_259 : memref<10240x128xf32, #tpu.memory_space<vmem_shared>>)
        %add3A_260 = arith.constant 2 : i32
        %add3A_261 = arith.addi %add3A_226, %add3A_260 : i32
        %dma_start3A_262 = arith.constant 1 : i32
        %dma_start3A_263 = arith.constant 0 : i32
        %dma_start3A_264 = arith.constant 0 : i32
        %dma_start3A_265 = tpu.memref_slice %arg8[%dma_start3A_262, %dma_start3A_263, %dma_start3A_264] : memref<2x128x128xf32, #tpu.memory_space<vmem>> -> memref<1x128x128xf32, #tpu.memory_space<vmem>>
        %dma_start3A_266 = tpu.memref_squeeze %dma_start3A_265 : memref<1x128x128xf32, #tpu.memory_space<vmem>> -> memref<128x128xf32, #tpu.memory_space<vmem>>
        %dma_start3A_267 = arith.constant 0 : i32
        %dma_start3A_268 = tpu.memref_slice %arg6[%select_n3A_38, %add3A_261, %dma_start3A_267] : memref<2x16x128xi32, #tpu.memory_space<vmem>> -> memref<1x1x128xi32, #tpu.memory_space<vmem>>
        %dma_start3A_269 = tpu.memref_squeeze %dma_start3A_268 : memref<1x1x128xi32, #tpu.memory_space<vmem>> -> memref<128xi32, #tpu.memory_space<vmem>>
        %dma_start3A_270 = arith.constant 0 : i32
        %dma_start3A_271 = arith.constant 0 : i32
        %dma_start3A_272 = tpu.memref_slice %arg4[%dma_start3A_270, %dma_start3A_271] : memref<10000x128xf32, #tpu.memory_space<hbm>> -> memref<10000x128xf32, #tpu.memory_space<hbm>>
        tpu.enqueue_indirect_dma source(%dma_start3A_272 : memref<10000x128xf32, #tpu.memory_space<hbm>>) target(%dma_start3A_266 : memref<128x128xf32, #tpu.memory_space<vmem>>) offsets(%dma_start3A_269 : memref<128xi32, #tpu.memory_space<vmem>>) semaphore(%arg11 : memref<!tpu.dma_semaphore, #tpu.memory_space<semaphore_mem>>)
        %scan3A_273 = arith.constant 0 : i32
        scf.yield %scan3A_273 : i32
      }
      %scan3A_91 = arith.constant 7 : i32
      %dma_wait3A = arith.constant 14 : i32
      %dma_wait3A_92 = arith.constant 0 : i32
      %dma_wait3A_93 = arith.constant 0 : i32
      %dma_wait3A_94 = arith.constant 0 : i32
      %dma_wait3A_95 = tpu.memref_slice %arg8[%dma_wait3A_92, %dma_wait3A_93, %dma_wait3A_94] : memref<2x128x128xf32, #tpu.memory_space<vmem>> -> memref<1x128x128xf32, #tpu.memory_space<vmem>>
      %dma_wait3A_96 = tpu.memref_squeeze %dma_wait3A_95 : memref<1x128x128xf32, #tpu.memory_space<vmem>> -> memref<128x128xf32, #tpu.memory_space<vmem>>
      %dma_wait3A_97 = arith.constant 0 : i32
      %dma_wait3A_98 = tpu.memref_slice %arg6[%select_n3A_38, %dma_wait3A, %dma_wait3A_97] : memref<2x16x128xi32, #tpu.memory_space<vmem>> -> memref<1x1x128xi32, #tpu.memory_space<vmem>>
      %dma_wait3A_99 = tpu.memref_squeeze %dma_wait3A_98 : memref<1x1x128xi32, #tpu.memory_space<vmem>> -> memref<128xi32, #tpu.memory_space<vmem>>
      %dma_wait3A_100 = arith.constant 0 : i32
      %dma_wait3A_101 = arith.constant 0 : i32
      %dma_wait3A_102 = tpu.memref_slice %arg4[%dma_wait3A_100, %dma_wait3A_101] : memref<10000x128xf32, #tpu.memory_space<hbm>> -> memref<10000x128xf32, #tpu.memory_space<hbm>>
      tpu.wait_indirect_dma semaphore(%arg10 : memref<!tpu.dma_semaphore, #tpu.memory_space<semaphore_mem>>) src(%dma_wait3A_102 : memref<10000x128xf32, #tpu.memory_space<hbm>>) dst(%dma_wait3A_96 : memref<128x128xf32, #tpu.memory_space<vmem>>)
      %dma_start3A_103 = arith.constant 0 : i32
      %dma_start3A_104 = arith.constant 14 : i32
      %dma_start3A_105 = arith.constant 0 : i32
      %dma_start3A_106 = arith.constant 0 : i32
      %dma_start3A_107 = tpu.memref_slice %arg8[%dma_start3A_103, %dma_start3A_105, %dma_start3A_106] : memref<2x128x128xf32, #tpu.memory_space<vmem>> -> memref<1x128x128xf32, #tpu.memory_space<vmem>>
      %dma_start3A_108 = tpu.memref_squeeze %dma_start3A_107 : memref<1x128x128xf32, #tpu.memory_space<vmem>> -> memref<128x128xf32, #tpu.memory_space<vmem>>
      %dma_start3A_109 = arith.constant 0 : i32
      %dma_start3A_110 = tpu.memref_slice %arg7[%select_n3A_38, %dma_start3A_104, %dma_start3A_109] : memref<2x16x128xi32, #tpu.memory_space<vmem>> -> memref<1x1x128xi32, #tpu.memory_space<vmem>>
      %dma_start3A_111 = tpu.memref_squeeze %dma_start3A_110 : memref<1x1x128xi32, #tpu.memory_space<vmem>> -> memref<128xi32, #tpu.memory_space<vmem>>
      %dma_start3A_112 = arith.constant 0 : i32
      %dma_start3A_113 = arith.constant 0 : i32
      %dma_start3A_114 = tpu.memref_slice %arg13[%dma_start3A_112, %dma_start3A_113] : memref<10240x128xf32, #tpu.memory_space<vmem_shared>> -> memref<10240x128xf32, #tpu.memory_space<vmem_shared>>
      tpu.enqueue_indirect_dma source(%dma_start3A_108 : memref<128x128xf32, #tpu.memory_space<vmem>>) target(%dma_start3A_114 : memref<10240x128xf32, #tpu.memory_space<vmem_shared>>) offsets(%dma_start3A_111 : memref<128xi32, #tpu.memory_space<vmem>>) semaphore(%arg12 : memref<!tpu.dma_semaphore, #tpu.memory_space<semaphore_mem>>) {add = true}
      %dma_wait3A_115 = arith.constant 0 : i32
      %dma_wait3A_116 = arith.constant 14 : i32
      %dma_wait3A_117 = arith.constant 0 : i32
      %dma_wait3A_118 = arith.constant 0 : i32
      %dma_wait3A_119 = tpu.memref_slice %arg8[%dma_wait3A_115, %dma_wait3A_117, %dma_wait3A_118] : memref<2x128x128xf32, #tpu.memory_space<vmem>> -> memref<1x128x128xf32, #tpu.memory_space<vmem>>
      %dma_wait3A_120 = tpu.memref_squeeze %dma_wait3A_119 : memref<1x128x128xf32, #tpu.memory_space<vmem>> -> memref<128x128xf32, #tpu.memory_space<vmem>>
      %dma_wait3A_121 = arith.constant 0 : i32
      %dma_wait3A_122 = tpu.memref_slice %arg7[%select_n3A_38, %dma_wait3A_116, %dma_wait3A_121] : memref<2x16x128xi32, #tpu.memory_space<vmem>> -> memref<1x1x128xi32, #tpu.memory_space<vmem>>
      %dma_wait3A_123 = tpu.memref_squeeze %dma_wait3A_122 : memref<1x1x128xi32, #tpu.memory_space<vmem>> -> memref<128xi32, #tpu.memory_space<vmem>>
      %dma_wait3A_124 = arith.constant 0 : i32
      %dma_wait3A_125 = arith.constant 0 : i32
      %dma_wait3A_126 = tpu.memref_slice %arg13[%dma_wait3A_124, %dma_wait3A_125] : memref<10240x128xf32, #tpu.memory_space<vmem_shared>> -> memref<10240x128xf32, #tpu.memory_space<vmem_shared>>
      tpu.wait_indirect_dma semaphore(%arg12 : memref<!tpu.dma_semaphore, #tpu.memory_space<semaphore_mem>>) src(%dma_wait3A_120 : memref<128x128xf32, #tpu.memory_space<vmem>>) dst(%dma_wait3A_126 : memref<10240x128xf32, #tpu.memory_space<vmem_shared>>)
      %dma_wait3A_127 = arith.constant 15 : i32
      %dma_wait3A_128 = arith.constant 1 : i32
      %dma_wait3A_129 = arith.constant 0 : i32
      %dma_wait3A_130 = arith.constant 0 : i32
      %dma_wait3A_131 = tpu.memref_slice %arg8[%dma_wait3A_128, %dma_wait3A_129, %dma_wait3A_130] : memref<2x128x128xf32, #tpu.memory_space<vmem>> -> memref<1x128x128xf32, #tpu.memory_space<vmem>>
      %dma_wait3A_132 = tpu.memref_squeeze %dma_wait3A_131 : memref<1x128x128xf32, #tpu.memory_space<vmem>> -> memref<128x128xf32, #tpu.memory_space<vmem>>
      %dma_wait3A_133 = arith.constant 0 : i32
      %dma_wait3A_134 = tpu.memref_slice %arg6[%select_n3A_38, %dma_wait3A_127, %dma_wait3A_133] : memref<2x16x128xi32, #tpu.memory_space<vmem>> -> memref<1x1x128xi32, #tpu.memory_space<vmem>>
      %dma_wait3A_135 = tpu.memref_squeeze %dma_wait3A_134 : memref<1x1x128xi32, #tpu.memory_space<vmem>> -> memref<128xi32, #tpu.memory_space<vmem>>
      %dma_wait3A_136 = arith.constant 0 : i32
      %dma_wait3A_137 = arith.constant 0 : i32
      %dma_wait3A_138 = tpu.memref_slice %arg4[%dma_wait3A_136, %dma_wait3A_137] : memref<10000x128xf32, #tpu.memory_space<hbm>> -> memref<10000x128xf32, #tpu.memory_space<hbm>>
      tpu.wait_indirect_dma semaphore(%arg11 : memref<!tpu.dma_semaphore, #tpu.memory_space<semaphore_mem>>) src(%dma_wait3A_138 : memref<10000x128xf32, #tpu.memory_space<hbm>>) dst(%dma_wait3A_132 : memref<128x128xf32, #tpu.memory_space<vmem>>)
      %dma_start3A_139 = arith.constant 1 : i32
      %dma_start3A_140 = arith.constant 15 : i32
      %dma_start3A_141 = arith.constant 0 : i32
      %dma_start3A_142 = arith.constant 0 : i32
      %dma_start3A_143 = tpu.memref_slice %arg8[%dma_start3A_139, %dma_start3A_141, %dma_start3A_142] : memref<2x128x128xf32, #tpu.memory_space<vmem>> -> memref<1x128x128xf32, #tpu.memory_space<vmem>>
      %dma_start3A_144 = tpu.memref_squeeze %dma_start3A_143 : memref<1x128x128xf32, #tpu.memory_space<vmem>> -> memref<128x128xf32, #tpu.memory_space<vmem>>
      %dma_start3A_145 = arith.constant 0 : i32
      %dma_start3A_146 = tpu.memref_slice %arg7[%select_n3A_38, %dma_start3A_140, %dma_start3A_145] : memref<2x16x128xi32, #tpu.memory_space<vmem>> -> memref<1x1x128xi32, #tpu.memory_space<vmem>>
      %dma_start3A_147 = tpu.memref_squeeze %dma_start3A_146 : memref<1x1x128xi32, #tpu.memory_space<vmem>> -> memref<128xi32, #tpu.memory_space<vmem>>
      %dma_start3A_148 = arith.constant 0 : i32
      %dma_start3A_149 = arith.constant 0 : i32
      %dma_start3A_150 = tpu.memref_slice %arg13[%dma_start3A_148, %dma_start3A_149] : memref<10240x128xf32, #tpu.memory_space<vmem_shared>> -> memref<10240x128xf32, #tpu.memory_space<vmem_shared>>
      tpu.enqueue_indirect_dma source(%dma_start3A_144 : memref<128x128xf32, #tpu.memory_space<vmem>>) target(%dma_start3A_150 : memref<10240x128xf32, #tpu.memory_space<vmem_shared>>) offsets(%dma_start3A_147 : memref<128xi32, #tpu.memory_space<vmem>>) semaphore(%arg12 : memref<!tpu.dma_semaphore, #tpu.memory_space<semaphore_mem>>) {add = true}
      %dma_wait3A_151 = arith.constant 1 : i32
      %dma_wait3A_152 = arith.constant 15 : i32
      %dma_wait3A_153 = arith.constant 0 : i32
      %dma_wait3A_154 = arith.constant 0 : i32
      %dma_wait3A_155 = tpu.memref_slice %arg8[%dma_wait3A_151, %dma_wait3A_153, %dma_wait3A_154] : memref<2x128x128xf32, #tpu.memory_space<vmem>> -> memref<1x128x128xf32, #tpu.memory_space<vmem>>
      %dma_wait3A_156 = tpu.memref_squeeze %dma_wait3A_155 : memref<1x128x128xf32, #tpu.memory_space<vmem>> -> memref<128x128xf32, #tpu.memory_space<vmem>>
      %dma_wait3A_157 = arith.constant 0 : i32
      %dma_wait3A_158 = tpu.memref_slice %arg7[%select_n3A_38, %dma_wait3A_152, %dma_wait3A_157] : memref<2x16x128xi32, #tpu.memory_space<vmem>> -> memref<1x1x128xi32, #tpu.memory_space<vmem>>
      %dma_wait3A_159 = tpu.memref_squeeze %dma_wait3A_158 : memref<1x1x128xi32, #tpu.memory_space<vmem>> -> memref<128xi32, #tpu.memory_space<vmem>>
      %dma_wait3A_160 = arith.constant 0 : i32
      %dma_wait3A_161 = arith.constant 0 : i32
      %dma_wait3A_162 = tpu.memref_slice %arg13[%dma_wait3A_160, %dma_wait3A_161] : memref<10240x128xf32, #tpu.memory_space<vmem_shared>> -> memref<10240x128xf32, #tpu.memory_space<vmem_shared>>
      tpu.wait_indirect_dma semaphore(%arg12 : memref<!tpu.dma_semaphore, #tpu.memory_space<semaphore_mem>>) src(%dma_wait3A_156 : memref<128x128xf32, #tpu.memory_space<vmem>>) dst(%dma_wait3A_162 : memref<10240x128xf32, #tpu.memory_space<vmem_shared>>)
      %add3A_163 = arith.constant 1 : i32
      %add3A_164 = arith.addi %scan3A_28, %add3A_163 : i32
      %lt3A_165 = arith.constant 5 : i32
      %lt3A_166 = arith.cmpi slt, %add3A_164, %lt3A_165 : i32
      %convert_element_type3A_167 = arith.extui %lt3A_166 : i1 to i32
      %cond3A_168 = arith.constant 0 : i32
      %cond3A_169 = arith.cmpi ne, %convert_element_type3A_167, %cond3A_168 : i32
      scf.if %cond3A_169 {
        %dma_wait3A_171 = arith.constant 0 : i32
        %dma_wait3A_172 = arith.constant 0 : i32
        %dma_wait3A_173 = tpu.memref_slice %arg6[%select_n3A_56, %dma_wait3A_171, %dma_wait3A_172] : memref<2x16x128xi32, #tpu.memory_space<vmem>> -> memref<1x16x128xi32, #tpu.memory_space<vmem>>
        %dma_wait3A_174 = tpu.memref_squeeze %dma_wait3A_173 : memref<1x16x128xi32, #tpu.memory_space<vmem>> -> memref<16x128xi32, #tpu.memory_space<vmem>>
        %dma_wait3A_175 = arith.constant 0 : i32
        %dma_wait3A_176 = tpu.memref_slice %arg2[%mul3A_5, %dma_wait3A_175] : memref<2560x128xi32, #tpu.memory_space<hbm>> -> memref<16x128xi32, #tpu.memory_space<hbm>>
        %dma_wait3A_177 = arith.constant 0 : i32
        %dma_wait3A_178 = arith.constant 0 : i32
        %dma_wait3A_179 = tpu.memref_slice %arg6[%select_n3A_56, %dma_wait3A_177, %dma_wait3A_178] : memref<2x16x128xi32, #tpu.memory_space<vmem>> -> memref<1x16x128xi32, #tpu.memory_space<vmem>>
        %dma_wait3A_180 = tpu.memref_squeeze %dma_wait3A_179 : memref<1x16x128xi32, #tpu.memory_space<vmem>> -> memref<16x128xi32, #tpu.memory_space<vmem>>
        %dma_wait3A_181 = arith.constant 0 : i32
        %dma_wait3A_182 = tpu.memref_slice %arg2[%mul3A_5, %dma_wait3A_181] : memref<2560x128xi32, #tpu.memory_space<hbm>> -> memref<16x128xi32, #tpu.memory_space<hbm>>
        tpu.wait_dma2 semaphore(%arg9 : memref<!tpu.dma_semaphore, #tpu.memory_space<semaphore_mem>>) src(%dma_wait3A_182 : memref<16x128xi32, #tpu.memory_space<hbm>>) dst(%dma_wait3A_180 : memref<16x128xi32, #tpu.memory_space<vmem>>)
        %dma_wait3A_183 = arith.constant 0 : i32
        %dma_wait3A_184 = arith.constant 0 : i32
        %dma_wait3A_185 = tpu.memref_slice %arg7[%select_n3A_56, %dma_wait3A_183, %dma_wait3A_184] : memref<2x16x128xi32, #tpu.memory_space<vmem>> -> memref<1x16x128xi32, #tpu.memory_space<vmem>>
        %dma_wait3A_186 = tpu.memref_squeeze %dma_wait3A_185 : memref<1x16x128xi32, #tpu.memory_space<vmem>> -> memref<16x128xi32, #tpu.memory_space<vmem>>
        %dma_wait3A_187 = arith.constant 0 : i32
        %dma_wait3A_188 = tpu.memref_slice %arg3[%mul3A_5, %dma_wait3A_187] : memref<2560x128xi32, #tpu.memory_space<hbm>> -> memref<16x128xi32, #tpu.memory_space<hbm>>
        %dma_wait3A_189 = arith.constant 0 : i32
        %dma_wait3A_190 = arith.constant 0 : i32
        %dma_wait3A_191 = tpu.memref_slice %arg7[%select_n3A_56, %dma_wait3A_189, %dma_wait3A_190] : memref<2x16x128xi32, #tpu.memory_space<vmem>> -> memref<1x16x128xi32, #tpu.memory_space<vmem>>
        %dma_wait3A_192 = tpu.memref_squeeze %dma_wait3A_191 : memref<1x16x128xi32, #tpu.memory_space<vmem>> -> memref<16x128xi32, #tpu.memory_space<vmem>>
        %dma_wait3A_193 = arith.constant 0 : i32
        %dma_wait3A_194 = tpu.memref_slice %arg3[%mul3A_5, %dma_wait3A_193] : memref<2560x128xi32, #tpu.memory_space<hbm>> -> memref<16x128xi32, #tpu.memory_space<hbm>>
        tpu.wait_dma2 semaphore(%arg9 : memref<!tpu.dma_semaphore, #tpu.memory_space<semaphore_mem>>) src(%dma_wait3A_194 : memref<16x128xi32, #tpu.memory_space<hbm>>) dst(%dma_wait3A_192 : memref<16x128xi32, #tpu.memory_space<vmem>>)
      } else {
      }
      %scan3A_170 = arith.constant 0 : i32
      scf.yield %scan3A_170 : i32
    }
    %scan3A_26 = arith.constant 5 : i32
    %barrier3A_27 = arith.constant 0 : index
    tpu.barrier barrier_id(%barrier3A_27)
    "tpu.region"() ({
      %run_scoped3A_28 = tpu.sem_alloc : memref<!tpu.dma_semaphore, #tpu.memory_space<semaphore_mem>>
      %dma_start3A = arith.constant 0 : i32
      %dma_start3A_29 = tpu.memref_slice %arg5[%arg0, %mul3A_3, %dma_start3A] : memref<2x10240x128xf32, #tpu.memory_space<hbm>> -> memref<1x640x128xf32, #tpu.memory_space<hbm>>
      %dma_start3A_30 = tpu.memref_squeeze %dma_start3A_29 : memref<1x640x128xf32, #tpu.memory_space<hbm>> -> memref<640x128xf32, #tpu.memory_space<hbm>>
      %dma_start3A_31 = arith.constant 0 : i32
      %dma_start3A_32 = tpu.memref_slice %arg13[%mul3A_3, %dma_start3A_31] : memref<10240x128xf32, #tpu.memory_space<vmem_shared>> -> memref<640x128xf32, #tpu.memory_space<vmem_shared>>
      tpu.enqueue_dma source(%dma_start3A_32 : memref<640x128xf32, #tpu.memory_space<vmem_shared>>) target(%dma_start3A_30 : memref<640x128xf32, #tpu.memory_space<hbm>>) target_semaphore(%run_scoped3A_28 : memref<!tpu.dma_semaphore, #tpu.memory_space<semaphore_mem>>)
      %dma_wait3A = arith.constant 0 : i32
      %dma_wait3A_33 = tpu.memref_slice %arg5[%arg0, %mul3A_3, %dma_wait3A] : memref<2x10240x128xf32, #tpu.memory_space<hbm>> -> memref<1x640x128xf32, #tpu.memory_space<hbm>>
      %dma_wait3A_34 = tpu.memref_squeeze %dma_wait3A_33 : memref<1x640x128xf32, #tpu.memory_space<hbm>> -> memref<640x128xf32, #tpu.memory_space<hbm>>
      %dma_wait3A_35 = arith.constant 0 : i32
      %dma_wait3A_36 = tpu.memref_slice %arg13[%mul3A_3, %dma_wait3A_35] : memref<10240x128xf32, #tpu.memory_space<vmem_shared>> -> memref<640x128xf32, #tpu.memory_space<vmem_shared>>
      tpu.wait_dma2 semaphore(%run_scoped3A_28 : memref<!tpu.dma_semaphore, #tpu.memory_space<semaphore_mem>>) src(%dma_wait3A_36 : memref<640x128xf32, #tpu.memory_space<vmem_shared>>) dst(%dma_wait3A_34 : memref<640x128xf32, #tpu.memory_space<hbm>>)
      tpu.yield
    }) : () -> ()
    return
  }
}

module attributes {stable_mosaic.version = 14 : i64} {
  func.func @_gcn_pre_body(%arg0: i32, %arg1: memref<1000x128xf32, #tpu.memory_space<vmem>>, %arg2: memref<128x128xf32, #tpu.memory_space<vmem>>, %arg3: memref<2x1000x128xf32, #tpu.memory_space<vmem>>, %arg4: memref<1000x128xf32, #tpu.memory_space<vmem>>, %arg5: memref<1000x1xf32, #tpu.memory_space<vmem>>) attributes {dimension_semantics = [#tpu.dimension_semantics<arbitrary>], iteration_bounds = array<i64: 10>, scalar_prefetch = 0 : i64, scratch_operands = 0 : i64, tpu.core_type = #tpu.core_type<tc>, window_params = [{transform_indices = @transform_0, window_bounds = array<i64: 1000, 128>}, {pipeline_mode = #tpu.pipeline_mode<synchronous>, transform_indices = @transform_1, window_bounds = array<i64: 128, 128>}, {transform_indices = @transform_2, window_bounds = array<i64: 2, 1000, 128>}, {transform_indices = @transform_3, window_bounds = array<i64: 1000, 128>}, {transform_indices = @transform_4, window_bounds = array<i64: 1000, 1>}]} {
    %get3A = arith.constant 0 : index
    %get3A_0 = arith.constant 0 : index
    %get3A_1 = arith.constant 0 : index
    %get3A_2 = vector.load %arg3[%get3A, %get3A_0, %get3A_1] : memref<2x1000x128xf32, #tpu.memory_space<vmem>>, vector<2x1000x128xf32>
    %slice3A = vector.extract_strided_slice %get3A_2 {offsets = [0, 0, 0], sizes = [1, 1000, 1], strides = [1, 1, 1]} : vector<2x1000x128xf32> to vector<1x1000x1xf32>
    %squeeze3A = vector.shape_cast %slice3A : vector<1x1000x1xf32> to vector<1000x1xf32>
    %slice3A_3 = vector.extract_strided_slice %get3A_2 {offsets = [1, 0, 0], sizes = [1, 1000, 1], strides = [1, 1, 1]} : vector<2x1000x128xf32> to vector<1x1000x1xf32>
    %squeeze3A_4 = vector.shape_cast %slice3A_3 : vector<1x1000x1xf32> to vector<1000x1xf32>
    %add3A = arith.addf %squeeze3A, %squeeze3A_4 : vector<1000x1xf32>
    %add3A_5 = arith.constant 1.000000e+00 : f32
    %add3A_6 = vector.broadcast %add3A_5 : f32 to vector<1000x1xf32>
    %add3A_7 = arith.addf %add3A, %add3A_6 : vector<1000x1xf32>
    %max3A = arith.constant 1.000000e+00 : f32
    %max3A_8 = vector.broadcast %max3A : f32 to vector<1000x1xf32>
    %max3A_9 = arith.maximumf %add3A_7, %max3A_8 : vector<1000x1xf32>
    %rsqrt3A = math.rsqrt %max3A_9 : vector<1000x1xf32>
    %get3A_10 = arith.constant 0 : index
    %get3A_11 = arith.constant 0 : index
    %get3A_12 = vector.load %arg1[%get3A_10, %get3A_11] : memref<1000x128xf32, #tpu.memory_space<vmem>>, vector<1000x128xf32>
    %get3A_13 = arith.constant 0 : index
    %get3A_14 = arith.constant 0 : index
    %get3A_15 = vector.load %arg2[%get3A_13, %get3A_14] : memref<128x128xf32, #tpu.memory_space<vmem>>, vector<128x128xf32>
    %dot_general3A = arith.constant dense<0.000000e+00> : vector<1000x128xf32>
    %dot_general3A_16 = tpu.matmul %get3A_12, %get3A_15, %dot_general3A {dimension_numbers = #tpu.dot_dimension_numbers<[1], [0], [0], [1], [0, 0, 1, 1], [], []>, transpose_lhs_hint = false} : vector<1000x128xf32>, vector<128x128xf32>, vector<1000x128xf32> -> vector<1000x128xf32>
    %mul3A = vector.broadcast %rsqrt3A : vector<1000x1xf32> to vector<1000x128xf32>
    %mul3A_17 = arith.mulf %dot_general3A_16, %mul3A : vector<1000x128xf32>
    %swap3A = arith.constant 0 : index
    %swap3A_18 = arith.constant 0 : index
    %swap3A_19 = vector.load %arg4[%swap3A, %swap3A_18] : memref<1000x128xf32, #tpu.memory_space<vmem>>, vector<1000x128xf32>
    tpu.vector_store %arg4[%swap3A, %swap3A_18], %mul3A_17 {strides = array<i32>} : memref<1000x128xf32, #tpu.memory_space<vmem>>, vector<1000x128xf32>,
    %swap3A_20 = arith.constant 0 : index
    %swap3A_21 = arith.constant 0 : index
    %swap3A_22 = vector.load %arg5[%swap3A_20, %swap3A_21] : memref<1000x1xf32, #tpu.memory_space<vmem>>, vector<1000x1xf32>
    tpu.vector_store %arg5[%swap3A_20, %swap3A_21], %rsqrt3A {strides = array<i32>} : memref<1000x1xf32, #tpu.memory_space<vmem>>, vector<1000x1xf32>,
    return
  }
  func.func @transform_0(%arg0: i32) -> (i32, i32) {
    %c0_i32 = arith.constant 0 : i32
    %c0_i32_0 = arith.constant 0 : i32
    return %arg0, %c0_i32 : i32, i32
  }
  func.func @transform_1(%arg0: i32) -> (i32, i32) {
    %c0_i32 = arith.constant 0 : i32
    %c0_i32_0 = arith.constant 0 : i32
    %c0_i32_1 = arith.constant 0 : i32
    return %c0_i32, %c0_i32_0 : i32, i32
  }
  func.func @transform_2(%arg0: i32) -> (i32, i32, i32) {
    %c0_i32 = arith.constant 0 : i32
    %c0_i32_0 = arith.constant 0 : i32
    %c0_i32_1 = arith.constant 0 : i32
    return %c0_i32, %arg0, %c0_i32_0 : i32, i32, i32
  }
  func.func @transform_3(%arg0: i32) -> (i32, i32) {
    %c0_i32 = arith.constant 0 : i32
    %c0_i32_0 = arith.constant 0 : i32
    return %arg0, %c0_i32 : i32, i32
  }
  func.func @transform_4(%arg0: i32) -> (i32, i32) {
    %c0_i32 = arith.constant 0 : i32
    %c0_i32_0 = arith.constant 0 : i32
    return %arg0, %c0_i32 : i32, i32
  }
}

module attributes {stable_mosaic.version = 14 : i64} {
  func.func @_agg_body(%arg0: i32, %arg1: memref<2x1000x128xf32, #tpu.memory_space<vmem>>, %arg2: memref<1000x128xf32, #tpu.memory_space<vmem>>, %arg3: memref<1000x1xf32, #tpu.memory_space<vmem>>, %arg4: memref<1x128xf32, #tpu.memory_space<vmem>>, %arg5: memref<1000x128xf32, #tpu.memory_space<vmem>>, %arg6: memref<1x128xf32, #tpu.memory_space<vmem>>, %arg7: memref<1x128xf32, #tpu.memory_space<vmem>>) attributes {dimension_semantics = [#tpu.dimension_semantics<arbitrary>], iteration_bounds = array<i64: 10>, scalar_prefetch = 0 : i64, scratch_operands = 0 : i64, tpu.core_type = #tpu.core_type<tc>, window_params = [{transform_indices = @transform_0, window_bounds = array<i64: 2, 1000, 128>}, {transform_indices = @transform_1, window_bounds = array<i64: 1000, 128>}, {transform_indices = @transform_2, window_bounds = array<i64: 1000, 1>}, {pipeline_mode = #tpu.pipeline_mode<synchronous>, transform_indices = @transform_3, window_bounds = array<i64: 1, 128>}, {transform_indices = @transform_4, window_bounds = array<i64: 1000, 128>}, {pipeline_mode = #tpu.pipeline_mode<synchronous>, transform_indices = @transform_5, window_bounds = array<i64: 1, 128>}, {pipeline_mode = #tpu.pipeline_mode<synchronous>, transform_indices = @transform_6, window_bounds = array<i64: 1, 128>}]} {
    %get3A = arith.constant 0 : index
    %get3A_0 = arith.constant 0 : index
    %get3A_1 = arith.constant 0 : index
    %get3A_2 = vector.load %arg1[%get3A, %get3A_0, %get3A_1] : memref<2x1000x128xf32, #tpu.memory_space<vmem>>, vector<2x1000x128xf32>
    %slice3A = vector.extract_strided_slice %get3A_2 {offsets = [0, 0, 0], sizes = [1, 1000, 128], strides = [1, 1, 1]} : vector<2x1000x128xf32> to vector<1x1000x128xf32>
    %squeeze3A = vector.shape_cast %slice3A : vector<1x1000x128xf32> to vector<1000x128xf32>
    %slice3A_3 = vector.extract_strided_slice %get3A_2 {offsets = [1, 0, 0], sizes = [1, 1000, 128], strides = [1, 1, 1]} : vector<2x1000x128xf32> to vector<1x1000x128xf32>
    %squeeze3A_4 = vector.shape_cast %slice3A_3 : vector<1x1000x128xf32> to vector<1000x128xf32>
    %add3A = arith.addf %squeeze3A, %squeeze3A_4 : vector<1000x128xf32>
    %get3A_5 = arith.constant 0 : index
    %get3A_6 = arith.constant 0 : index
    %get3A_7 = vector.load %arg2[%get3A_5, %get3A_6] : memref<1000x128xf32, #tpu.memory_space<vmem>>, vector<1000x128xf32>
    %add3A_8 = arith.addf %add3A, %get3A_7 : vector<1000x128xf32>
    %get3A_9 = arith.constant 0 : index
    %get3A_10 = arith.constant 0 : index
    %get3A_11 = vector.load %arg3[%get3A_9, %get3A_10] : memref<1000x1xf32, #tpu.memory_space<vmem>>, vector<1000x1xf32>
    %mul3A = vector.broadcast %get3A_11 : vector<1000x1xf32> to vector<1000x128xf32>
    %mul3A_12 = arith.mulf %add3A_8, %mul3A : vector<1000x128xf32>
    %get3A_13 = arith.constant 0 : index
    %get3A_14 = arith.constant 0 : index
    %get3A_15 = vector.load %arg4[%get3A_13, %get3A_14] : memref<1x128xf32, #tpu.memory_space<vmem>>, vector<1x128xf32>
    %add3A_16 = vector.broadcast %get3A_15 : vector<1x128xf32> to vector<1000x128xf32>
    %add3A_17 = arith.addf %mul3A_12, %add3A_16 : vector<1000x128xf32>
    %swap3A = arith.constant 0 : index
    %swap3A_18 = arith.constant 0 : index
    %swap3A_19 = vector.load %arg5[%swap3A, %swap3A_18] : memref<1000x128xf32, #tpu.memory_space<vmem>>, vector<1000x128xf32>
    tpu.vector_store %arg5[%swap3A, %swap3A_18], %add3A_17 {strides = array<i32>} : memref<1000x128xf32, #tpu.memory_space<vmem>>, vector<1000x128xf32>,
    %reduce_sum3A = arith.constant dense<0.000000e+00> : vector<128xf32>
    %reduce_sum3A_20 = vector.multi_reduction <add>, %add3A_17, %reduce_sum3A [0] : vector<1000x128xf32> to vector<128xf32>
    %broadcast_in_dim3A = vector.shape_cast %reduce_sum3A_20 : vector<128xf32> to vector<1x128xf32>
    %mul3A_21 = arith.mulf %add3A_17, %add3A_17 : vector<1000x128xf32>
    %reduce_sum3A_22 = arith.constant dense<0.000000e+00> : vector<128xf32>
    %reduce_sum3A_23 = vector.multi_reduction <add>, %mul3A_21, %reduce_sum3A_22 [0] : vector<1000x128xf32> to vector<128xf32>
    %broadcast_in_dim3A_24 = vector.shape_cast %reduce_sum3A_23 : vector<128xf32> to vector<1x128xf32>
    %eq3A = arith.constant 0 : i32
    %eq3A_25 = arith.cmpi eq, %arg0, %eq3A : i32
    %convert_element_type3A = arith.extui %eq3A_25 : i1 to i32
    %cond3A = arith.constant 0 : i32
    %cond3A_26 = arith.cmpi ne, %convert_element_type3A, %cond3A : i32
    scf.if %cond3A_26 {
      %swap3A_31 = arith.constant 0 : index
      %swap3A_32 = arith.constant 0 : index
      %swap3A_33 = vector.load %arg6[%swap3A_31, %swap3A_32] : memref<1x128xf32, #tpu.memory_space<vmem>>, vector<1x128xf32>
      tpu.vector_store %arg6[%swap3A_31, %swap3A_32], %broadcast_in_dim3A {strides = array<i32>} : memref<1x128xf32, #tpu.memory_space<vmem>>, vector<1x128xf32>,
      %swap3A_34 = arith.constant 0 : index
      %swap3A_35 = arith.constant 0 : index
      %swap3A_36 = vector.load %arg7[%swap3A_34, %swap3A_35] : memref<1x128xf32, #tpu.memory_space<vmem>>, vector<1x128xf32>
      tpu.vector_store %arg7[%swap3A_34, %swap3A_35], %broadcast_in_dim3A_24 {strides = array<i32>} : memref<1x128xf32, #tpu.memory_space<vmem>>, vector<1x128xf32>,
    } else {
    }
    %ne3A = arith.constant 0 : i32
    %ne3A_27 = arith.cmpi ne, %arg0, %ne3A : i32
    %convert_element_type3A_28 = arith.extui %ne3A_27 : i1 to i32
    %cond3A_29 = arith.constant 0 : i32
    %cond3A_30 = arith.cmpi ne, %convert_element_type3A_28, %cond3A_29 : i32
    scf.if %cond3A_30 {
      %get3A_31 = arith.constant 0 : index
      %get3A_32 = arith.constant 0 : index
      %get3A_33 = vector.load %arg6[%get3A_31, %get3A_32] : memref<1x128xf32, #tpu.memory_space<vmem>>, vector<1x128xf32>
      %add3A_34 = arith.addf %get3A_33, %broadcast_in_dim3A : vector<1x128xf32>
      %swap3A_35 = arith.constant 0 : index
      %swap3A_36 = arith.constant 0 : index
      %swap3A_37 = vector.load %arg6[%swap3A_35, %swap3A_36] : memref<1x128xf32, #tpu.memory_space<vmem>>, vector<1x128xf32>
      tpu.vector_store %arg6[%swap3A_35, %swap3A_36], %add3A_34 {strides = array<i32>} : memref<1x128xf32, #tpu.memory_space<vmem>>, vector<1x128xf32>,
      %get3A_38 = arith.constant 0 : index
      %get3A_39 = arith.constant 0 : index
      %get3A_40 = vector.load %arg7[%get3A_38, %get3A_39] : memref<1x128xf32, #tpu.memory_space<vmem>>, vector<1x128xf32>
      %add3A_41 = arith.addf %get3A_40, %broadcast_in_dim3A_24 : vector<1x128xf32>
      %swap3A_42 = arith.constant 0 : index
      %swap3A_43 = arith.constant 0 : index
      %swap3A_44 = vector.load %arg7[%swap3A_42, %swap3A_43] : memref<1x128xf32, #tpu.memory_space<vmem>>, vector<1x128xf32>
      tpu.vector_store %arg7[%swap3A_42, %swap3A_43], %add3A_41 {strides = array<i32>} : memref<1x128xf32, #tpu.memory_space<vmem>>, vector<1x128xf32>,
    } else {
    }
    return
  }
  func.func @transform_0(%arg0: i32) -> (i32, i32, i32) {
    %c0_i32 = arith.constant 0 : i32
    %c0_i32_0 = arith.constant 0 : i32
    %c0_i32_1 = arith.constant 0 : i32
    return %c0_i32, %arg0, %c0_i32_0 : i32, i32, i32
  }
  func.func @transform_1(%arg0: i32) -> (i32, i32) {
    %c0_i32 = arith.constant 0 : i32
    %c0_i32_0 = arith.constant 0 : i32
    return %arg0, %c0_i32 : i32, i32
  }
  func.func @transform_2(%arg0: i32) -> (i32, i32) {
    %c0_i32 = arith.constant 0 : i32
    %c0_i32_0 = arith.constant 0 : i32
    return %arg0, %c0_i32 : i32, i32
  }
  func.func @transform_3(%arg0: i32) -> (i32, i32) {
    %c0_i32 = arith.constant 0 : i32
    %c0_i32_0 = arith.constant 0 : i32
    %c0_i32_1 = arith.constant 0 : i32
    return %c0_i32, %c0_i32_0 : i32, i32
  }
  func.func @transform_4(%arg0: i32) -> (i32, i32) {
    %c0_i32 = arith.constant 0 : i32
    %c0_i32_0 = arith.constant 0 : i32
    return %arg0, %c0_i32 : i32, i32
  }
  func.func @transform_5(%arg0: i32) -> (i32, i32) {
    %c0_i32 = arith.constant 0 : i32
    %c0_i32_0 = arith.constant 0 : i32
    %c0_i32_1 = arith.constant 0 : i32
    return %c0_i32, %c0_i32_0 : i32, i32
  }
  func.func @transform_6(%arg0: i32) -> (i32, i32) {
    %c0_i32 = arith.constant 0 : i32
    %c0_i32_0 = arith.constant 0 : i32
    %c0_i32_1 = arith.constant 0 : i32
    return %c0_i32, %c0_i32_0 : i32, i32
  }
}

module attributes {stable_mosaic.version = 14 : i64} {
  func.func @_enc_body(%arg0: i32, %arg1: memref<1000x128xf32, #tpu.memory_space<vmem>>, %arg2: memref<1x128xf32, #tpu.memory_space<vmem>>, %arg3: memref<1x128xf32, #tpu.memory_space<vmem>>, %arg4: memref<1x128xf32, #tpu.memory_space<vmem>>, %arg5: memref<1x128xf32, #tpu.memory_space<vmem>>, %arg6: memref<128x32xf32, #tpu.memory_space<vmem>>, %arg7: memref<1x32xf32, #tpu.memory_space<vmem>>, %arg8: memref<128x32xf32, #tpu.memory_space<vmem>>, %arg9: memref<1x32xf32, #tpu.memory_space<vmem>>, %arg10: memref<32x64xf32, #tpu.memory_space<vmem>>, %arg11: memref<1x64xf32, #tpu.memory_space<vmem>>, %arg12: memref<1000x32xf32, #tpu.memory_space<vmem>>, %arg13: memref<1000x32xf32, #tpu.memory_space<vmem>>, %arg14: memref<1000x64xf32, #tpu.memory_space<vmem>>, %arg15: memref<1x64xf32, #tpu.memory_space<vmem>>, %arg16: memref<1x64xf32, #tpu.memory_space<vmem>>) attributes {dimension_semantics = [#tpu.dimension_semantics<arbitrary>], iteration_bounds = array<i64: 10>, scalar_prefetch = 0 : i64, scratch_operands = 0 : i64, tpu.core_type = #tpu.core_type<tc>, window_params = [{transform_indices = @transform_0, window_bounds = array<i64: 1000, 128>}, {pipeline_mode = #tpu.pipeline_mode<synchronous>, transform_indices = @transform_1, window_bounds = array<i64: 1, 128>}, {pipeline_mode = #tpu.pipeline_mode<synchronous>, transform_indices = @transform_2, window_bounds = array<i64: 1, 128>}, {pipeline_mode = #tpu.pipeline_mode<synchronous>, transform_indices = @transform_3, window_bounds = array<i64: 1, 128>}, {pipeline_mode = #tpu.pipeline_mode<synchronous>, transform_indices = @transform_4, window_bounds = array<i64: 1, 128>}, {pipeline_mode = #tpu.pipeline_mode<synchronous>, transform_indices = @transform_5, window_bounds = array<i64: 128, 32>}, {pipeline_mode = #tpu.pipeline_mode<synchronous>, transform_indices = @transform_6, window_bounds = array<i64: 1, 32>}, {pipeline_mode = #tpu.pipeline_mode<synchronous>, transform_indices = @transform_7, window_bounds = array<i64: 128, 32>}, {pipeline_mode = #tpu.pipeline_mode<synchronous>, transform_indices = @transform_8, window_bounds = array<i64: 1, 32>}, {pipeline_mode = #tpu.pipeline_mode<synchronous>, transform_indices = @transform_9, window_bounds = array<i64: 32, 64>}, {pipeline_mode = #tpu.pipeline_mode<synchronous>, transform_indices = @transform_10, window_bounds = array<i64: 1, 64>}, {transform_indices = @transform_11, window_bounds = array<i64: 1000, 32>}, {transform_indices = @transform_12, window_bounds = array<i64: 1000, 32>}, {transform_indices = @transform_13, window_bounds = array<i64: 1000, 64>}, {pipeline_mode = #tpu.pipeline_mode<synchronous>, transform_indices = @transform_14, window_bounds = array<i64: 1, 64>}, {pipeline_mode = #tpu.pipeline_mode<synchronous>, transform_indices = @transform_15, window_bounds = array<i64: 1, 64>}]} {
    %get3A = arith.constant 0 : index
    %get3A_0 = arith.constant 0 : index
    %get3A_1 = vector.load %arg2[%get3A, %get3A_0] : memref<1x128xf32, #tpu.memory_space<vmem>>, vector<1x128xf32>
    %mul3A = arith.constant 9.99999974E-5 : f32
    %mul3A_2 = vector.broadcast %mul3A : f32 to vector<1x128xf32>
    %mul3A_3 = arith.mulf %get3A_1, %mul3A_2 : vector<1x128xf32>
    %get3A_4 = arith.constant 0 : index
    %get3A_5 = arith.constant 0 : index
    %get3A_6 = vector.load %arg3[%get3A_4, %get3A_5] : memref<1x128xf32, #tpu.memory_space<vmem>>, vector<1x128xf32>
    %mul3A_7 = arith.constant 9.99999974E-5 : f32
    %mul3A_8 = vector.broadcast %mul3A_7 : f32 to vector<1x128xf32>
    %mul3A_9 = arith.mulf %get3A_6, %mul3A_8 : vector<1x128xf32>
    %mul3A_10 = arith.mulf %mul3A_3, %mul3A_3 : vector<1x128xf32>
    %sub3A = arith.subf %mul3A_9, %mul3A_10 : vector<1x128xf32>
    %get3A_11 = arith.constant 0 : index
    %get3A_12 = arith.constant 0 : index
    %get3A_13 = vector.load %arg4[%get3A_11, %get3A_12] : memref<1x128xf32, #tpu.memory_space<vmem>>, vector<1x128xf32>
    %add3A = arith.constant 9.99999974E-6 : f32
    %add3A_14 = vector.broadcast %add3A : f32 to vector<1x128xf32>
    %add3A_15 = arith.addf %sub3A, %add3A_14 : vector<1x128xf32>
    %rsqrt3A = math.rsqrt %add3A_15 : vector<1x128xf32>
    %mul3A_16 = arith.mulf %get3A_13, %rsqrt3A : vector<1x128xf32>
    %get3A_17 = arith.constant 0 : index
    %get3A_18 = arith.constant 0 : index
    %get3A_19 = vector.load %arg1[%get3A_17, %get3A_18] : memref<1000x128xf32, #tpu.memory_space<vmem>>, vector<1000x128xf32>
    %sub3A_20 = vector.broadcast %mul3A_3 : vector<1x128xf32> to vector<1000x128xf32>
    %sub3A_21 = arith.subf %get3A_19, %sub3A_20 : vector<1000x128xf32>
    %mul3A_22 = vector.broadcast %mul3A_16 : vector<1x128xf32> to vector<1000x128xf32>
    %mul3A_23 = arith.mulf %sub3A_21, %mul3A_22 : vector<1000x128xf32>
    %get3A_24 = arith.constant 0 : index
    %get3A_25 = arith.constant 0 : index
    %get3A_26 = vector.load %arg5[%get3A_24, %get3A_25] : memref<1x128xf32, #tpu.memory_space<vmem>>, vector<1x128xf32>
    %add3A_27 = vector.broadcast %get3A_26 : vector<1x128xf32> to vector<1000x128xf32>
    %add3A_28 = arith.addf %mul3A_23, %add3A_27 : vector<1000x128xf32>
    %max3A = arith.constant 0.000000e+00 : f32
    %max3A_29 = vector.broadcast %max3A : f32 to vector<1000x128xf32>
    %max3A_30 = arith.maximumf %add3A_28, %max3A_29 : vector<1000x128xf32>
    %get3A_31 = arith.constant 0 : index
    %get3A_32 = arith.constant 0 : index
    %get3A_33 = vector.load %arg6[%get3A_31, %get3A_32] : memref<128x32xf32, #tpu.memory_space<vmem>>, vector<128x32xf32>
    %dot_general3A = arith.constant dense<0.000000e+00> : vector<1000x32xf32>
    %dot_general3A_34 = tpu.matmul %max3A_30, %get3A_33, %dot_general3A {dimension_numbers = #tpu.dot_dimension_numbers<[1], [0], [0], [1], [0, 0, 1, 1], [], []>, transpose_lhs_hint = false} : vector<1000x128xf32>, vector<128x32xf32>, vector<1000x32xf32> -> vector<1000x32xf32>
    %get3A_35 = arith.constant 0 : index
    %get3A_36 = arith.constant 0 : index
    %get3A_37 = vector.load %arg7[%get3A_35, %get3A_36] : memref<1x32xf32, #tpu.memory_space<vmem>>, vector<1x32xf32>
    %add3A_38 = vector.broadcast %get3A_37 : vector<1x32xf32> to vector<1000x32xf32>
    %add3A_39 = arith.addf %dot_general3A_34, %add3A_38 : vector<1000x32xf32>
    %swap3A = arith.constant 0 : index
    %swap3A_40 = arith.constant 0 : index
    %swap3A_41 = vector.load %arg12[%swap3A, %swap3A_40] : memref<1000x32xf32, #tpu.memory_space<vmem>>, vector<1000x32xf32>
    tpu.vector_store %arg12[%swap3A, %swap3A_40], %add3A_39 {strides = array<i32>} : memref<1000x32xf32, #tpu.memory_space<vmem>>, vector<1000x32xf32>,
    %get3A_42 = arith.constant 0 : index
    %get3A_43 = arith.constant 0 : index
    %get3A_44 = vector.load %arg8[%get3A_42, %get3A_43] : memref<128x32xf32, #tpu.memory_space<vmem>>, vector<128x32xf32>
    %dot_general3A_45 = arith.constant dense<0.000000e+00> : vector<1000x32xf32>
    %dot_general3A_46 = tpu.matmul %max3A_30, %get3A_44, %dot_general3A_45 {dimension_numbers = #tpu.dot_dimension_numbers<[1], [0], [0], [1], [0, 0, 1, 1], [], []>, transpose_lhs_hint = false} : vector<1000x128xf32>, vector<128x32xf32>, vector<1000x32xf32> -> vector<1000x32xf32>
    %get3A_47 = arith.constant 0 : index
    %get3A_48 = arith.constant 0 : index
    %get3A_49 = vector.load %arg9[%get3A_47, %get3A_48] : memref<1x32xf32, #tpu.memory_space<vmem>>, vector<1x32xf32>
    %add3A_50 = vector.broadcast %get3A_49 : vector<1x32xf32> to vector<1000x32xf32>
    %add3A_51 = arith.addf %dot_general3A_46, %add3A_50 : vector<1000x32xf32>
    %swap3A_52 = arith.constant 0 : index
    %swap3A_53 = arith.constant 0 : index
    %swap3A_54 = vector.load %arg13[%swap3A_52, %swap3A_53] : memref<1000x32xf32, #tpu.memory_space<vmem>>, vector<1000x32xf32>
    tpu.vector_store %arg13[%swap3A_52, %swap3A_53], %add3A_51 {strides = array<i32>} : memref<1000x32xf32, #tpu.memory_space<vmem>>, vector<1000x32xf32>,
    %get3A_55 = arith.constant 0 : index
    %get3A_56 = arith.constant 0 : index
    %get3A_57 = vector.load %arg10[%get3A_55, %get3A_56] : memref<32x64xf32, #tpu.memory_space<vmem>>, vector<32x64xf32>
    %dot_general3A_58 = arith.constant dense<0.000000e+00> : vector<1000x64xf32>
    %dot_general3A_59 = tpu.matmul %add3A_39, %get3A_57, %dot_general3A_58 {dimension_numbers = #tpu.dot_dimension_numbers<[1], [0], [0], [1], [0, 0, 1, 1], [], []>, transpose_lhs_hint = false} : vector<1000x32xf32>, vector<32x64xf32>, vector<1000x64xf32> -> vector<1000x64xf32>
    %get3A_60 = arith.constant 0 : index
    %get3A_61 = arith.constant 0 : index
    %get3A_62 = vector.load %arg11[%get3A_60, %get3A_61] : memref<1x64xf32, #tpu.memory_space<vmem>>, vector<1x64xf32>
    %add3A_63 = vector.broadcast %get3A_62 : vector<1x64xf32> to vector<1000x64xf32>
    %add3A_64 = arith.addf %dot_general3A_59, %add3A_63 : vector<1000x64xf32>
    %swap3A_65 = arith.constant 0 : index
    %swap3A_66 = arith.constant 0 : index
    %swap3A_67 = vector.load %arg14[%swap3A_65, %swap3A_66] : memref<1000x64xf32, #tpu.memory_space<vmem>>, vector<1000x64xf32>
    tpu.vector_store %arg14[%swap3A_65, %swap3A_66], %add3A_64 {strides = array<i32>} : memref<1000x64xf32, #tpu.memory_space<vmem>>, vector<1000x64xf32>,
    %reduce_sum3A = arith.constant dense<0.000000e+00> : vector<64xf32>
    %reduce_sum3A_68 = vector.multi_reduction <add>, %add3A_64, %reduce_sum3A [0] : vector<1000x64xf32> to vector<64xf32>
    %broadcast_in_dim3A = vector.shape_cast %reduce_sum3A_68 : vector<64xf32> to vector<1x64xf32>
    %mul3A_69 = arith.mulf %add3A_64, %add3A_64 : vector<1000x64xf32>
    %reduce_sum3A_70 = arith.constant dense<0.000000e+00> : vector<64xf32>
    %reduce_sum3A_71 = vector.multi_reduction <add>, %mul3A_69, %reduce_sum3A_70 [0] : vector<1000x64xf32> to vector<64xf32>
    %broadcast_in_dim3A_72 = vector.shape_cast %reduce_sum3A_71 : vector<64xf32> to vector<1x64xf32>
    %eq3A = arith.constant 0 : i32
    %eq3A_73 = arith.cmpi eq, %arg0, %eq3A : i32
    %convert_element_type3A = arith.extui %eq3A_73 : i1 to i32
    %cond3A = arith.constant 0 : i32
    %cond3A_74 = arith.cmpi ne, %convert_element_type3A, %cond3A : i32
    scf.if %cond3A_74 {
      %swap3A_79 = arith.constant 0 : index
      %swap3A_80 = arith.constant 0 : index
      %swap3A_81 = vector.load %arg15[%swap3A_79, %swap3A_80] : memref<1x64xf32, #tpu.memory_space<vmem>>, vector<1x64xf32>
      tpu.vector_store %arg15[%swap3A_79, %swap3A_80], %broadcast_in_dim3A {strides = array<i32>} : memref<1x64xf32, #tpu.memory_space<vmem>>, vector<1x64xf32>,
      %swap3A_82 = arith.constant 0 : index
      %swap3A_83 = arith.constant 0 : index
      %swap3A_84 = vector.load %arg16[%swap3A_82, %swap3A_83] : memref<1x64xf32, #tpu.memory_space<vmem>>, vector<1x64xf32>
      tpu.vector_store %arg16[%swap3A_82, %swap3A_83], %broadcast_in_dim3A_72 {strides = array<i32>} : memref<1x64xf32, #tpu.memory_space<vmem>>, vector<1x64xf32>,
    } else {
    }
    %ne3A = arith.constant 0 : i32
    %ne3A_75 = arith.cmpi ne, %arg0, %ne3A : i32
    %convert_element_type3A_76 = arith.extui %ne3A_75 : i1 to i32
    %cond3A_77 = arith.constant 0 : i32
    %cond3A_78 = arith.cmpi ne, %convert_element_type3A_76, %cond3A_77 : i32
    scf.if %cond3A_78 {
      %get3A_79 = arith.constant 0 : index
      %get3A_80 = arith.constant 0 : index
      %get3A_81 = vector.load %arg15[%get3A_79, %get3A_80] : memref<1x64xf32, #tpu.memory_space<vmem>>, vector<1x64xf32>
      %add3A_82 = arith.addf %get3A_81, %broadcast_in_dim3A : vector<1x64xf32>
      %swap3A_83 = arith.constant 0 : index
      %swap3A_84 = arith.constant 0 : index
      %swap3A_85 = vector.load %arg15[%swap3A_83, %swap3A_84] : memref<1x64xf32, #tpu.memory_space<vmem>>, vector<1x64xf32>
      tpu.vector_store %arg15[%swap3A_83, %swap3A_84], %add3A_82 {strides = array<i32>} : memref<1x64xf32, #tpu.memory_space<vmem>>, vector<1x64xf32>,
      %get3A_86 = arith.constant 0 : index
      %get3A_87 = arith.constant 0 : index
      %get3A_88 = vector.load %arg16[%get3A_86, %get3A_87] : memref<1x64xf32, #tpu.memory_space<vmem>>, vector<1x64xf32>
      %add3A_89 = arith.addf %get3A_88, %broadcast_in_dim3A_72 : vector<1x64xf32>
      %swap3A_90 = arith.constant 0 : index
      %swap3A_91 = arith.constant 0 : index
      %swap3A_92 = vector.load %arg16[%swap3A_90, %swap3A_91] : memref<1x64xf32, #tpu.memory_space<vmem>>, vector<1x64xf32>
      tpu.vector_store %arg16[%swap3A_90, %swap3A_91], %add3A_89 {strides = array<i32>} : memref<1x64xf32, #tpu.memory_space<vmem>>, vector<1x64xf32>,
    } else {
    }
    return
  }
  func.func @transform_0(%arg0: i32) -> (i32, i32) {
    %c0_i32 = arith.constant 0 : i32
    %c0_i32_0 = arith.constant 0 : i32
    return %arg0, %c0_i32 : i32, i32
  }
  func.func @transform_1(%arg0: i32) -> (i32, i32) {
    %c0_i32 = arith.constant 0 : i32
    %c0_i32_0 = arith.constant 0 : i32
    %c0_i32_1 = arith.constant 0 : i32
    return %c0_i32, %c0_i32_0 : i32, i32
  }
  func.func @transform_2(%arg0: i32) -> (i32, i32) {
    %c0_i32 = arith.constant 0 : i32
    %c0_i32_0 = arith.constant 0 : i32
    %c0_i32_1 = arith.constant 0 : i32
    return %c0_i32, %c0_i32_0 : i32, i32
  }
  func.func @transform_3(%arg0: i32) -> (i32, i32) {
    %c0_i32 = arith.constant 0 : i32
    %c0_i32_0 = arith.constant 0 : i32
    %c0_i32_1 = arith.constant 0 : i32
    return %c0_i32, %c0_i32_0 : i32, i32
  }
  func.func @transform_4(%arg0: i32) -> (i32, i32) {
    %c0_i32 = arith.constant 0 : i32
    %c0_i32_0 = arith.constant 0 : i32
    %c0_i32_1 = arith.constant 0 : i32
    return %c0_i32, %c0_i32_0 : i32, i32
  }
  func.func @transform_5(%arg0: i32) -> (i32, i32) {
    %c0_i32 = arith.constant 0 : i32
    %c0_i32_0 = arith.constant 0 : i32
    %c0_i32_1 = arith.constant 0 : i32
    return %c0_i32, %c0_i32_0 : i32, i32
  }
  func.func @transform_6(%arg0: i32) -> (i32, i32) {
    %c0_i32 = arith.constant 0 : i32
    %c0_i32_0 = arith.constant 0 : i32
    %c0_i32_1 = arith.constant 0 : i32
    return %c0_i32, %c0_i32_0 : i32, i32
  }
  func.func @transform_7(%arg0: i32) -> (i32, i32) {
    %c0_i32 = arith.constant 0 : i32
    %c0_i32_0 = arith.constant 0 : i32
    %c0_i32_1 = arith.constant 0 : i32
    return %c0_i32, %c0_i32_0 : i32, i32
  }
  func.func @transform_8(%arg0: i32) -> (i32, i32) {
    %c0_i32 = arith.constant 0 : i32
    %c0_i32_0 = arith.constant 0 : i32
    %c0_i32_1 = arith.constant 0 : i32
    return %c0_i32, %c0_i32_0 : i32, i32
  }
  func.func @transform_9(%arg0: i32) -> (i32, i32) {
    %c0_i32 = arith.constant 0 : i32
    %c0_i32_0 = arith.constant 0 : i32
    %c0_i32_1 = arith.constant 0 : i32
    return %c0_i32, %c0_i32_0 : i32, i32
  }
  func.func @transform_10(%arg0: i32) -> (i32, i32) {
    %c0_i32 = arith.constant 0 : i32
    %c0_i32_0 = arith.constant 0 : i32
    %c0_i32_1 = arith.constant 0 : i32
    return %c0_i32, %c0_i32_0 : i32, i32
  }
  func.func @transform_11(%arg0: i32) -> (i32, i32) {
    %c0_i32 = arith.constant 0 : i32
    %c0_i32_0 = arith.constant 0 : i32
    return %arg0, %c0_i32 : i32, i32
  }
  func.func @transform_12(%arg0: i32) -> (i32, i32) {
    %c0_i32 = arith.constant 0 : i32
    %c0_i32_0 = arith.constant 0 : i32
    return %arg0, %c0_i32 : i32, i32
  }
  func.func @transform_13(%arg0: i32) -> (i32, i32) {
    %c0_i32 = arith.constant 0 : i32
    %c0_i32_0 = arith.constant 0 : i32
    return %arg0, %c0_i32 : i32, i32
  }
  func.func @transform_14(%arg0: i32) -> (i32, i32) {
    %c0_i32 = arith.constant 0 : i32
    %c0_i32_0 = arith.constant 0 : i32
    %c0_i32_1 = arith.constant 0 : i32
    return %c0_i32, %c0_i32_0 : i32, i32
  }
  func.func @transform_15(%arg0: i32) -> (i32, i32) {
    %c0_i32 = arith.constant 0 : i32
    %c0_i32_0 = arith.constant 0 : i32
    %c0_i32_1 = arith.constant 0 : i32
    return %c0_i32, %c0_i32_0 : i32, i32
  }
}

module attributes {stable_mosaic.version = 14 : i64} {
  func.func @_adj_body(%arg0: i32, %arg1: memref<400x32xf32, #tpu.memory_space<vmem>>, %arg2: memref<10000x32xf32, #tpu.memory_space<vmem>>, %arg3: memref<400x10000xf32, #tpu.memory_space<vmem>>) attributes {dimension_semantics = [#tpu.dimension_semantics<arbitrary>], iteration_bounds = array<i64: 25>, scalar_prefetch = 0 : i64, scratch_operands = 0 : i64, tpu.core_type = #tpu.core_type<tc>, window_params = [{transform_indices = @transform_0, window_bounds = array<i64: 400, 32>}, {pipeline_mode = #tpu.pipeline_mode<synchronous>, transform_indices = @transform_1, window_bounds = array<i64: 10000, 32>}, {transform_indices = @transform_2, window_bounds = array<i64: 400, 10000>}]} {
    %get3A = arith.constant 0 : index
    %get3A_0 = arith.constant 0 : index
    %get3A_1 = vector.load %arg1[%get3A, %get3A_0] : memref<400x32xf32, #tpu.memory_space<vmem>>, vector<400x32xf32>
    %get3A_2 = arith.constant 0 : index
    %get3A_3 = arith.constant 0 : index
    %get3A_4 = vector.load %arg2[%get3A_2, %get3A_3] : memref<10000x32xf32, #tpu.memory_space<vmem>>, vector<10000x32xf32>
    %dot_general3A = arith.constant dense<0.000000e+00> : vector<400x10000xf32>
    %dot_general3A_5 = tpu.matmul %get3A_1, %get3A_4, %dot_general3A {dimension_numbers = #tpu.dot_dimension_numbers<[1], [1], [0], [0], [0, 0, 1, 0], [], []>, transpose_lhs_hint = false} : vector<400x32xf32>, vector<10000x32xf32>, vector<400x10000xf32> -> vector<400x10000xf32>
    %logistic3A = arith.negf %dot_general3A_5 : vector<400x10000xf32>
    %logistic3A_6 = math.exp %logistic3A : vector<400x10000xf32>
    %logistic3A_7 = arith.constant 1.000000e+00 : f32
    %logistic3A_8 = vector.broadcast %logistic3A_7 : f32 to vector<400x10000xf32>
    %logistic3A_9 = arith.addf %logistic3A_8, %logistic3A_6 : vector<400x10000xf32>
    %logistic3A_10 = arith.divf %logistic3A_8, %logistic3A_9 : vector<400x10000xf32>
    %swap3A = arith.constant 0 : index
    %swap3A_11 = arith.constant 0 : index
    %swap3A_12 = vector.load %arg3[%swap3A, %swap3A_11] : memref<400x10000xf32, #tpu.memory_space<vmem>>, vector<400x10000xf32>
    tpu.vector_store %arg3[%swap3A, %swap3A_11], %logistic3A_10 {strides = array<i32>} : memref<400x10000xf32, #tpu.memory_space<vmem>>, vector<400x10000xf32>,
    return
  }
  func.func @transform_0(%arg0: i32) -> (i32, i32) {
    %c0_i32 = arith.constant 0 : i32
    %c0_i32_0 = arith.constant 0 : i32
    return %arg0, %c0_i32 : i32, i32
  }
  func.func @transform_1(%arg0: i32) -> (i32, i32) {
    %c0_i32 = arith.constant 0 : i32
    %c0_i32_0 = arith.constant 0 : i32
    %c0_i32_1 = arith.constant 0 : i32
    return %c0_i32, %c0_i32_0 : i32, i32
  }
  func.func @transform_2(%arg0: i32) -> (i32, i32) {
    %c0_i32 = arith.constant 0 : i32
    %c0_i32_0 = arith.constant 0 : i32
    return %arg0, %c0_i32 : i32, i32
  }
}

module attributes {stable_mosaic.version = 14 : i64} {
  func.func @_teach_body(%arg0: i32, %arg1: memref<1000x64xf32, #tpu.memory_space<vmem>>, %arg2: memref<1x64xf32, #tpu.memory_space<vmem>>, %arg3: memref<1x64xf32, #tpu.memory_space<vmem>>, %arg4: memref<1x64xf32, #tpu.memory_space<vmem>>, %arg5: memref<1x64xf32, #tpu.memory_space<vmem>>, %arg6: memref<64x256xf32, #tpu.memory_space<vmem>>, %arg7: memref<1x256xf32, #tpu.memory_space<vmem>>, %arg8: memref<256x128xf32, #tpu.memory_space<vmem>>, %arg9: memref<1x128xf32, #tpu.memory_space<vmem>>, %arg10: memref<1000x128xf32, #tpu.memory_space<vmem>>) attributes {dimension_semantics = [#tpu.dimension_semantics<arbitrary>], iteration_bounds = array<i64: 10>, scalar_prefetch = 0 : i64, scratch_operands = 0 : i64, tpu.core_type = #tpu.core_type<tc>, window_params = [{transform_indices = @transform_0, window_bounds = array<i64: 1000, 64>}, {pipeline_mode = #tpu.pipeline_mode<synchronous>, transform_indices = @transform_1, window_bounds = array<i64: 1, 64>}, {pipeline_mode = #tpu.pipeline_mode<synchronous>, transform_indices = @transform_2, window_bounds = array<i64: 1, 64>}, {pipeline_mode = #tpu.pipeline_mode<synchronous>, transform_indices = @transform_3, window_bounds = array<i64: 1, 64>}, {pipeline_mode = #tpu.pipeline_mode<synchronous>, transform_indices = @transform_4, window_bounds = array<i64: 1, 64>}, {pipeline_mode = #tpu.pipeline_mode<synchronous>, transform_indices = @transform_5, window_bounds = array<i64: 64, 256>}, {pipeline_mode = #tpu.pipeline_mode<synchronous>, transform_indices = @transform_6, window_bounds = array<i64: 1, 256>}, {pipeline_mode = #tpu.pipeline_mode<synchronous>, transform_indices = @transform_7, window_bounds = array<i64: 256, 128>}, {pipeline_mode = #tpu.pipeline_mode<synchronous>, transform_indices = @transform_8, window_bounds = array<i64: 1, 128>}, {transform_indices = @transform_9, window_bounds = array<i64: 1000, 128>}]} {
    %get3A = arith.constant 0 : index
    %get3A_0 = arith.constant 0 : index
    %get3A_1 = vector.load %arg2[%get3A, %get3A_0] : memref<1x64xf32, #tpu.memory_space<vmem>>, vector<1x64xf32>
    %mul3A = arith.constant 9.99999974E-5 : f32
    %mul3A_2 = vector.broadcast %mul3A : f32 to vector<1x64xf32>
    %mul3A_3 = arith.mulf %get3A_1, %mul3A_2 : vector<1x64xf32>
    %get3A_4 = arith.constant 0 : index
    %get3A_5 = arith.constant 0 : index
    %get3A_6 = vector.load %arg3[%get3A_4, %get3A_5] : memref<1x64xf32, #tpu.memory_space<vmem>>, vector<1x64xf32>
    %mul3A_7 = arith.constant 9.99999974E-5 : f32
    %mul3A_8 = vector.broadcast %mul3A_7 : f32 to vector<1x64xf32>
    %mul3A_9 = arith.mulf %get3A_6, %mul3A_8 : vector<1x64xf32>
    %mul3A_10 = arith.mulf %mul3A_3, %mul3A_3 : vector<1x64xf32>
    %sub3A = arith.subf %mul3A_9, %mul3A_10 : vector<1x64xf32>
    %get3A_11 = arith.constant 0 : index
    %get3A_12 = arith.constant 0 : index
    %get3A_13 = vector.load %arg4[%get3A_11, %get3A_12] : memref<1x64xf32, #tpu.memory_space<vmem>>, vector<1x64xf32>
    %add3A = arith.constant 9.99999974E-6 : f32
    %add3A_14 = vector.broadcast %add3A : f32 to vector<1x64xf32>
    %add3A_15 = arith.addf %sub3A, %add3A_14 : vector<1x64xf32>
    %rsqrt3A = math.rsqrt %add3A_15 : vector<1x64xf32>
    %mul3A_16 = arith.mulf %get3A_13, %rsqrt3A : vector<1x64xf32>
    %get3A_17 = arith.constant 0 : index
    %get3A_18 = arith.constant 0 : index
    %get3A_19 = vector.load %arg1[%get3A_17, %get3A_18] : memref<1000x64xf32, #tpu.memory_space<vmem>>, vector<1000x64xf32>
    %sub3A_20 = vector.broadcast %mul3A_3 : vector<1x64xf32> to vector<1000x64xf32>
    %sub3A_21 = arith.subf %get3A_19, %sub3A_20 : vector<1000x64xf32>
    %mul3A_22 = vector.broadcast %mul3A_16 : vector<1x64xf32> to vector<1000x64xf32>
    %mul3A_23 = arith.mulf %sub3A_21, %mul3A_22 : vector<1000x64xf32>
    %get3A_24 = arith.constant 0 : index
    %get3A_25 = arith.constant 0 : index
    %get3A_26 = vector.load %arg5[%get3A_24, %get3A_25] : memref<1x64xf32, #tpu.memory_space<vmem>>, vector<1x64xf32>
    %add3A_27 = vector.broadcast %get3A_26 : vector<1x64xf32> to vector<1000x64xf32>
    %add3A_28 = arith.addf %mul3A_23, %add3A_27 : vector<1000x64xf32>
    %get3A_29 = arith.constant 0 : index
    %get3A_30 = arith.constant 0 : index
    %get3A_31 = vector.load %arg6[%get3A_29, %get3A_30] : memref<64x256xf32, #tpu.memory_space<vmem>>, vector<64x256xf32>
    %dot_general3A = arith.constant dense<0.000000e+00> : vector<1000x256xf32>
    %dot_general3A_32 = tpu.matmul %add3A_28, %get3A_31, %dot_general3A {dimension_numbers = #tpu.dot_dimension_numbers<[1], [0], [0], [1], [0, 0, 1, 1], [], []>, transpose_lhs_hint = false} : vector<1000x64xf32>, vector<64x256xf32>, vector<1000x256xf32> -> vector<1000x256xf32>
    %get3A_33 = arith.constant 0 : index
    %get3A_34 = arith.constant 0 : index
    %get3A_35 = vector.load %arg7[%get3A_33, %get3A_34] : memref<1x256xf32, #tpu.memory_space<vmem>>, vector<1x256xf32>
    %add3A_36 = vector.broadcast %get3A_35 : vector<1x256xf32> to vector<1000x256xf32>
    %add3A_37 = arith.addf %dot_general3A_32, %add3A_36 : vector<1000x256xf32>
    %max3A = arith.constant 0.000000e+00 : f32
    %max3A_38 = vector.broadcast %max3A : f32 to vector<1000x256xf32>
    %max3A_39 = arith.maximumf %add3A_37, %max3A_38 : vector<1000x256xf32>
    %get3A_40 = arith.constant 0 : index
    %get3A_41 = arith.constant 0 : index
    %get3A_42 = vector.load %arg8[%get3A_40, %get3A_41] : memref<256x128xf32, #tpu.memory_space<vmem>>, vector<256x128xf32>
    %dot_general3A_43 = arith.constant dense<0.000000e+00> : vector<1000x128xf32>
    %dot_general3A_44 = tpu.matmul %max3A_39, %get3A_42, %dot_general3A_43 {dimension_numbers = #tpu.dot_dimension_numbers<[1], [0], [0], [1], [0, 0, 1, 1], [], []>, transpose_lhs_hint = false} : vector<1000x256xf32>, vector<256x128xf32>, vector<1000x128xf32> -> vector<1000x128xf32>
    %get3A_45 = arith.constant 0 : index
    %get3A_46 = arith.constant 0 : index
    %get3A_47 = vector.load %arg9[%get3A_45, %get3A_46] : memref<1x128xf32, #tpu.memory_space<vmem>>, vector<1x128xf32>
    %add3A_48 = vector.broadcast %get3A_47 : vector<1x128xf32> to vector<1000x128xf32>
    %add3A_49 = arith.addf %dot_general3A_44, %add3A_48 : vector<1000x128xf32>
    %swap3A = arith.constant 0 : index
    %swap3A_50 = arith.constant 0 : index
    %swap3A_51 = vector.load %arg10[%swap3A, %swap3A_50] : memref<1000x128xf32, #tpu.memory_space<vmem>>, vector<1000x128xf32>
    tpu.vector_store %arg10[%swap3A, %swap3A_50], %add3A_49 {strides = array<i32>} : memref<1000x128xf32, #tpu.memory_space<vmem>>, vector<1000x128xf32>,
    return
  }
  func.func @transform_0(%arg0: i32) -> (i32, i32) {
    %c0_i32 = arith.constant 0 : i32
    %c0_i32_0 = arith.constant 0 : i32
    return %arg0, %c0_i32 : i32, i32
  }
  func.func @transform_1(%arg0: i32) -> (i32, i32) {
    %c0_i32 = arith.constant 0 : i32
    %c0_i32_0 = arith.constant 0 : i32
    %c0_i32_1 = arith.constant 0 : i32
    return %c0_i32, %c0_i32_0 : i32, i32
  }
  func.func @transform_2(%arg0: i32) -> (i32, i32) {
    %c0_i32 = arith.constant 0 : i32
    %c0_i32_0 = arith.constant 0 : i32
    %c0_i32_1 = arith.constant 0 : i32
    return %c0_i32, %c0_i32_0 : i32, i32
  }
  func.func @transform_3(%arg0: i32) -> (i32, i32) {
    %c0_i32 = arith.constant 0 : i32
    %c0_i32_0 = arith.constant 0 : i32
    %c0_i32_1 = arith.constant 0 : i32
    return %c0_i32, %c0_i32_0 : i32, i32
  }
  func.func @transform_4(%arg0: i32) -> (i32, i32) {
    %c0_i32 = arith.constant 0 : i32
    %c0_i32_0 = arith.constant 0 : i32
    %c0_i32_1 = arith.constant 0 : i32
    return %c0_i32, %c0_i32_0 : i32, i32
  }
  func.func @transform_5(%arg0: i32) -> (i32, i32) {
    %c0_i32 = arith.constant 0 : i32
    %c0_i32_0 = arith.constant 0 : i32
    %c0_i32_1 = arith.constant 0 : i32
    return %c0_i32, %c0_i32_0 : i32, i32
  }
  func.func @transform_6(%arg0: i32) -> (i32, i32) {
    %c0_i32 = arith.constant 0 : i32
    %c0_i32_0 = arith.constant 0 : i32
    %c0_i32_1 = arith.constant 0 : i32
    return %c0_i32, %c0_i32_0 : i32, i32
  }
  func.func @transform_7(%arg0: i32) -> (i32, i32) {
    %c0_i32 = arith.constant 0 : i32
    %c0_i32_0 = arith.constant 0 : i32
    %c0_i32_1 = arith.constant 0 : i32
    return %c0_i32, %c0_i32_0 : i32, i32
  }
  func.func @transform_8(%arg0: i32) -> (i32, i32) {
    %c0_i32 = arith.constant 0 : i32
    %c0_i32_0 = arith.constant 0 : i32
    %c0_i32_1 = arith.constant 0 : i32
    return %c0_i32, %c0_i32_0 : i32, i32
  }
  func.func @transform_9(%arg0: i32) -> (i32, i32) {
    %c0_i32 = arith.constant 0 : i32
    %c0_i32_0 = arith.constant 0 : i32
    return %arg0, %c0_i32 : i32, i32
  }
}

</mosaic_0001>

<sc_bundles>
// kernel: kernel.12.cloned.1.call-start
scs
__scs_entry_jumppad:
0x0: {  	(pc) =	sbr.rel $0x88, $3  }
0x1: {  	(tag) =	ssettag $0x0;
	lr =	simm.s32 $0x1  }
0x2: {  	[smem:$0x3F8F] =	sst lr;
	_ =	strace $0xD0000000  }
0x3: {  	_ = 	snop  }
0x4: {  	_ = 	snop  }
0x5: {  	_ = 	snop  }
0x6: {  	_ = 	snop  }
0x7: {  	_ = 	snop  }
__scs_overlays_trampoline_lowered:
0x8: {  	[smem:$0x3F9E] =	sst s0  }
0x9: {  	[smem:$0x3F9F] =	sst s1  }
0xa: {  	[smem:$0x3FA0] =	sst s2  }
0xb: {  	[smem:$0x3FA1] =	sst s3  }
0xc: {  	[smem:$0x3FA2] =	sst s4  }
0xd: {  	[smem:$0x3FA3] =	sst s5  }
0xe: {  	[smem:$0x3FA4] =	sst s6  }
0xf: {  	[smem:$0x3FA5] =	sst s7  }
0x10: {  	[smem:$0x3FA6] =	sst s8  }
0x11: {  	[smem:$0x3FA7] =	sst s9;
	s0 =	simm.s32 @!p0 $0x0  }
0x12: {  	s1 =	sld [smem:$0x3F8D];
	s0 =	simm.s32 @p0 $0x1  }
0x13: {  	[smem:$0x3FA8] =	sst s0;
	s0 =	simm.s32 @!p1 $0x0  }
0x14: {  	s2 =	sld [smem:$0x3F8C];
	s0 =	simm.s32 @p1 $0x1  }
0x15: {  	[smem:$0x3FA9] =	sst s0;
	s0 =	simm.s32 @!p2 $0x0  }
0x16: {  	s3 =	sld [smem:$0x3FDB];
	s0 =	simm.s32 @p2 $0x1  }
0x17: {  	s4 =	simm.s32 $0x1BF5;
	[smem:$0x3FAB] =	sst s0  }
0x18: {  	s0 =	sld [smem:$0x3F8E];
	_ =	swait.ge [sflag:s4], $0x0  }
0x19: {  	s7 =	sld [smem:$0x3F8F]  }
0x1a: {  	s8 =	sadd.s32 $0xFFFFE003, lr  }
0x1b: {  	s9 =	sadd.s32 $0xFFFFFEF7, lr;
	s5 =	simm.s32 $0xFFFFFFFF;
	p2 =	slt.u32 s8, $0xFFFFF086  }
0x1c: {  	p1 =	slt.u32 s9, $0xF7A;
	s5 =	simm.s32 @!p2 $0x0  }
0x1d: {  	s5 =	simm.s32 @p1 $0x1;
	p0 =	seq.s32 s7, s2  }
0x1e: {  	s7 =	smul.u32 @!p0 $0xF7A, s2;
	p2 =	seq.s32 @!p0 s5, $0x0  }
0x1f: {  	s9 =	smul.u32 $0xF7A, s1;
	s8 =	simm.s32 @!p0 $0x1BF5;
	p2 =	por !p2, p0  }
0x20: {  	[sflag:s8] =	ssyncset.s32 @!p0 $0xFFFFF086;
	s6 =	sadd.s32 @!p0 s3, s7;
	s7 =	simm.s32 @!p0 $0x108  }
0x21: {  	s3 =	sadd.s32 s3, s9;
	s6 =	sadd.s32 @!p0 $0x88, s6;
	s7 =	simm.s32 @p2 $0x1082  }
0x22: {  	[simem:s7], [sflag:s8] =	dma.local @!p0 [hbm:s6], $0xF7A  }
0x23: {  	s9 =	sor.u32 $0xD0000000, s2;
	s6 =	simm.s32 $0x108;
	_ =	swait.ge @!p0 [sflag:s8], $0x0  }
0x24: {  	s3 =	sadd.s32 $0x88, s3;
	s6 =	simm.s32 @!p1 $0x1082;
	[sflag:s4] =	ssyncset.s32 $0xFFFFF086  }
0x25: {  	[simem:s6], [sflag:s4] =	dma.local [hbm:s3], $0xF7A  }
0x26: {  	[smem:$0x3F8F] =	sst s1;
	(tag) =	ssettag s2;
	_ =	strace s9  }
0x27: {  	s1 =	sld [smem:$0x3F9F]  }
0x28: {  	s2 =	sld [smem:$0x3FA0]  }
0x29: {  	s4 =	sld [smem:$0x3FA2]  }
0x2a: {  	p0 =	seq.s32 s5, $0x0;
	s5 =	sld [smem:$0x3FA3]  }
0x2b: {  	s6 =	sld [smem:$0x3FA4]  }
0x2c: {  	s7 =	sld [smem:$0x3FA5]  }
0x2d: {  	s3 =	simm.s32 $0x108;
	s8 =	sld [smem:$0x3FA6]  }
0x2e: {  	s3 =	simm.s32 @!p0 $0x1082;
	s9 =	sld [smem:$0x3FA7]  }
0x2f: {  	lr =	sadd.s32 s0, s3;
	s0 =	sld [smem:$0x3F9E]  }
0x30: {  	s3 =	sld [smem:$0x3FA1]  }
0x31: {  	[smem:$0x3FAA] =	sst s10  }
0x32: {  	s10 =	sld [smem:$0x3FA8];
	_ =	sdelay $0x3  }
0x33: {  	p0 =	seq.s32 s10, $0x1;
	s10 =	sld [smem:$0x3FAA];
	_ =	sdelay $0x3  }
0x34: {  	[smem:$0x3FAA] =	sst s10  }
0x35: {  	s10 =	sld [smem:$0x3FA9];
	_ =	sdelay $0x3  }
0x36: {  	p1 =	seq.s32 s10, $0x1;
	s10 =	sld [smem:$0x3FAA];
	_ =	sdelay $0x3  }
0x37: {  	[smem:$0x3FAA] =	sst s10  }
0x38: {  	s10 =	sld [smem:$0x3FAB]  }
0x39: {  	_ = 	snop;
	(pc) =	sbr.ind lr, $3  }
0x3a: {  	_ = 	snop  }
0x3b: {  	_ = 	snop  }
0x3c: {  	p2 =	seq.s32 s10, $0x1;
	s10 =	sld [smem:$0x3FAA]  }
0x3d: {  	_ =	shalt  }
0x3e: {  	_ =	shalt  }
0x3f: {  	_ =	shalt  }
0x40: {  	_ =	shalt  }
0x41: {  	_ =	shalt  }
0x42: {  	_ =	shalt  }
0x43: {  	_ =	shalt  }
0x44: {  	_ =	shalt  }
0x45: {  	_ =	shalt  }
0x46: {  	_ =	shalt  }
0x47: {  	_ =	shalt  }
0x48: {  	_ =	shalt  }
0x49: {  	_ =	shalt  }
0x4a: {  	_ =	shalt  }
0x4b: {  	_ =	shalt  }
0x4c: {  	_ =	shalt  }
0x4d: {  	_ =	shalt  }
0x4e: {  	_ =	shalt  }
0x4f: {  	_ =	shalt  }
0x50: {  	_ =	shalt  }
0x51: {  	_ =	shalt  }
0x52: {  	_ =	shalt  }
0x53: {  	_ =	shalt  }
0x54: {  	_ =	shalt  }
0x55: {  	_ =	shalt  }
0x56: {  	_ =	shalt  }
0x57: {  	_ =	shalt  }
0x58: {  	_ =	shalt  }
0x59: {  	_ =	shalt  }
0x5a: {  	_ =	shalt  }
0x5b: {  	_ =	shalt  }
0x5c: {  	_ =	shalt  }
0x5d: {  	_ =	shalt  }
0x5e: {  	_ =	shalt  }
0x5f: {  	_ =	shalt  }
0x60: {  	_ =	shalt  }
0x61: {  	_ =	shalt  }
0x62: {  	_ =	shalt  }
0x63: {  	_ =	shalt  }
0x64: {  	_ =	shalt  }
0x65: {  	_ =	shalt  }
0x66: {  	_ =	shalt  }
0x67: {  	_ =	shalt  }
0x68: {  	_ =	shalt  }
0x69: {  	_ =	shalt  }
0x6a: {  	_ =	shalt  }
0x6b: {  	_ =	shalt  }
0x6c: {  	_ =	shalt  }
0x6d: {  	_ =	shalt  }
0x6e: {  	_ =	shalt  }
0x6f: {  	_ =	shalt  }
0x70: {  	_ =	shalt  }
0x71: {  	_ =	shalt  }
0x72: {  	_ =	shalt  }
0x73: {  	_ =	shalt  }
0x74: {  	_ =	shalt  }
0x75: {  	_ =	shalt  }
0x76: {  	_ =	shalt  }
0x77: {  	_ =	shalt  }
0x78: {  	_ =	shalt  }
0x79: {  	_ =	shalt  }
0x7a: {  	_ =	shalt  }
0x7b: {  	_ =	shalt  }
0x7c: {  	_ =	shalt  }
0x7d: {  	_ =	shalt  }
0x7e: {  	_ =	shalt  }
0x7f: {  	_ =	shalt  }
0x80: {  	_ =	shalt  }
0x81: {  	_ =	shalt  }
0x82: {  	_ =	shalt  }
0x83: {  	_ =	shalt  }
0x84: {  	_ =	shalt  }
0x85: {  	_ =	shalt  }
0x86: {  	_ =	shalt  }
0x87: {  	_ =	shalt  }
.Lfunc_end0:
.L_simem_size_0:
called_computation.1_lowered:
.L_overlay_start_0:
0x88: {  	s2 =	sld [smem:$0x3FD9]  }
0x89: {  	s3 =	sld [smem:$0x3FFE];
	_ =	sdelay $0x1  }
0x8a: {  	s1 =	srdreg.scid  }
0x8b: {  	s0 =	sand.u32 $0x1, s1  }
0x8c: {  	s14 =	sshll.u32 s0, $0xA;
	s2 =	sadd.s32 s3, s2  }
0x8d: {  	s2 =	sadd.s32 s2, s14  }
0x8e: {  	[smem:$0x3FB6] =	sst s2  }
0x8f: {  	_ = 	snop  }
0x90: {  	s2 =	sld [smem:$0x3FD0];
	_ =	sdelay $0x2  }
0x91: {  	s15 =	simm.s32 $0xA;
	s4 =	simm.s32 $0x10  }
0x92: {  	[smem:s4], [sflag:s15] =	dma.local [hbm:s2], $0x1  }
0x93: {  	_ =	swait.eq [sflag:s15], $0x1  }
0x94: {  	[sflag:s15] =	ssyncset.done $0x0  }
0x95: {  	s16 =	sld [smem:$0x10];
	[sflag:s15] =	ssyncadd.s32 $0xFFFFFFFF  }
0x96: {  	s17 =	sld [smem:$0x11];
	(tm) =	ssettm $0x1  }
0x97: {  	s18 =	sld [smem:$0x3FFB];
	_ =	sdelay $0x3  }
0x98: {  	_ =	strace s18  }
0x99: {  	s4 =	sld [smem:$0x3FFC];
	_ =	sdelay $0x3  }
0x9a: {  	_ =	strace s4  }
0x9b: {  	s4 =	sld [smem:$0x3FFD];
	_ =	sdelay $0x3  }
0x9c: {  	_ =	strace s4  }
0x9d: {  	_ =	strace $0x8FFFFFFF  }
0x9e: {  	s19 =	sld [smem:$0x3FDB];
	_ =	sdelay $0x1  }
0x9f: {  	s5 =	simm.s32 $_scs_section_size  }
0xa0: {  	s6 =	simm.s32 $_size__tile_overlayer_lowered;
	s7 =	simm.s32 $_tile_overlayer_lowered  }
0xa1: {  	s22 =	simm.s32 $0x1BFF;
	s21 =	sshll.u32 s7, $0x1;
	s4 =	sadd.s32 s5, s19  }
0xa2: {  	s8 =	simm.s32 $0x0;
	s20 =	sshll.u32 s6, $0x1;
	s6 =	sadd.s32 s21, s4  }
0xa3: {  	[timem:s8], [sflag:s22] =	dma.local [hbm:s6], s20  }
0xa4: {  	_ =	swait.ge [sflag:s22], s20  }
0xa5: {  	s5 =	ssub.s32 $0x0, s20;
	[sflag:s22] =	ssyncset.done $0x0  }
0xa6: {  	[sflag:s22] =	ssyncadd.s32 s5;
	_ =	sdelay $0x1  }
0xa7: {  	s23 =	simm.s32 $0x1B8B  }
0xa8: {  	_ =	swait.ge [sflag:s23], $0x1  }
0xa9: {  	[sflag:s23] =	ssyncset.done $0x0  }
0xaa: {  	s25 =	simm.s32 $0x1B8E;
	s24 =	sld [smem:$0x3FFE];
	[sflag:s23] =	ssyncadd.s32 $0xFFFFFFFF  }
0xab: {  	s26 =	simm.s32 $execute0_lowered;
	[smem:$0x3FD2] =	sst s25  }
0xac: {  	s6 =	sshll.u32 s26, $0x1;
	_ =	strace $0x80000049;
	[dreg:$0x1] =	wrdreg $0xFFFFFFFF  }
0xad: {  	s28 =	simm.s32 $_size_execute0_lowered;
	s4 =	sadd.s32 s4, s6;
	[dreg:$0x0] =	wrdreg $0x0  }
0xae: {  	s6 =	sshll.u32 s28, $0x1;
	[dreg:$0x2] =	wrdreg s4  }
0xaf: {  	[dreg:$0x3] =	wrdreg s6  }
0xb0: {  	[dreg:$0x4] =	wrdreg $0xC0  }
0xb1: {  	_ =	task [dreg:s8], $0x5FFFF  }
0xb2: {  	[dreg:$0x1] =	wrdreg $0xFFFFFFFF  }
0xb3: {  	[dreg:$0x0] =	wrdreg $0x60  }
0xb4: {  	[dreg:$0x2] =	wrdreg s24  }
0xb5: {  	[dreg:$0x3] =	wrdreg s17  }
0xb6: {  	[dreg:$0x4] =	wrdreg s16  }
0xb7: {  	[dreg:$0x5] =	wrdreg $0xA0000  }
0xb8: {  	[dreg:$0x6] =	wrdreg $0x9  }
0xb9: {  	_ =	task.clear_ibuf [dreg:s8], $0x7FFFF;
	_ =	strace $0x90000049  }
0xba: {  	s29 =	simm.s32 $0x9;
	_ =	strace $0x8000004B  }
0xbb: {  	_ =	swait.ge [sflag:s29], $0x1  }
0xbc: {  	[sflag:s29] =	ssyncadd.s32 $0xFFFFFFFF  }
0xbd: {  	_ =	strace $0x9000004B  }
0xbe: {  	_ =	sfence  }
0xbf: {  	s30 =	sld [smem:$0x0];
	_ =	sdelay $0x2  }
0xc0: {  	s31 =	sshll.u32 s1, $0xD;
	s1 =	sshrl.u32 s1, $0x2  }
0xc1: {  	s3 =	sand.u32 $0x4000, s31;
	s1 =	sadd.s32 s1, s30  }
0xc2: {  	s0 =	sor.u32 s3, s0;
	s1 =	sshll.u32 s1, $0x11  }
0xc3: {  	s0 =	sor.u32 s1, s0  }
0xc4: {  	s0 =	sadd.s32 $0x8F2B, s0  }
0xc5: {  	[sflag:s0] =	ssyncadd.remote.s32 $0x1  }
0xc6: {  	_ =	sfence.sel $0xFFFF  }
0xc7: {  	[dreg:$0x0] =	wrdreg $0xFFFFFFFF;
	(pc) =	sbr.abs _section_cstart, $3  }
0xc8: {  	[dreg:$0x1] =	wrdreg $0xFFFFFFFF  }
0xc9: {  	_ =	task.clear_ibuf [dreg:s8], $0x2FFFF;
	_ =	strace $0x9FFFFFFF  }
0xca: {  	(tm) =	ssettm $0x7FFFFFFF  }
0xcb: {  	_ =	shalt  }
tec
execute0_lowered:
.L_overlay_start_1:
0x0: {  	(tag) =	ssettag $0x1  }
0x1: {  	s6 =	rddreg [dreg:$0x0]  }
0x2: {  	s1 =	rddreg [dreg:$0x1]  }
0x3: {  	s10 =	rddreg [dreg:$0x2]  }
0x4: {  	s3 =	rddreg [dreg:$0x3]  }
0x5: {  	s0 =	rddreg [dreg:$0x4]  }
0x6: {  	s5 =	srdreg.scid;
	s2 =	stileid.u32;
	s4 =	simm.s32 $0x0  }
0x7: {  	s17 =	simm.s32 $0x5;
	s18 =	simm.s32 $0x1000;
	s19 =	simm.s32 $0x2000  }
0x8: {  	s20 =	simm.s32 $0x80;
	s21 =	simm.s32 $0x6000;
	s13 =	smul.u32 $0x14000, s2  }
0x9: {  	s22 =	simm.s32 $0x2;
	s23 =	simm.s32 $0x4;
	s14 =	smul.u32 $0x50000, s2  }
0xa: {  	s24 =	simm.s32 $0x3;
	s9 =	sand.u32 $0x1, s5;
	s15 =	smul.u32 $0x5000, s2  }
0xb: {  	s25 =	simm.s32 $0x0;
	s29 =	sshll.u32 s2, $0x1;
	s11 =	smul.u32 $0x140000, s9  }
0xc: {  	[smem:$0x7FF] =	sst s4;
	s5 =	sor.u32 s9, s29;
	s31 =	smul.u32 $0x2800, s9  }
0xd: {  	_ =	strace $0x8000004A;
	s7 =	ssub.s32 $0x2, s9;
	s8 =	smul.u32 $0x500, s5  }
0xe: {  	s5 =	sadd.s32 $0xDA00, s6;
	s6 =	sadd.s32 $0x3A00, s6;
	s12 =	sshrl.u32 s7, $0x1  }
0xf: {  	s30 =	sshrl.u32 s14, $0x2;
	s12 =	ssub.s32 s7, s12;
	s11 =	sadd.s32 s13, s11  }
0x10: {  	s9 =	sadd.s32 s30, s3;
	s16 =	sadd.s32 s31, s15;
	s7 =	sadd.s32 s5, s8  }
0x11: {  	s8 =	sadd.s32 s6, s8;
	s11 =	sshrl.u32 s11, $0x3;
	s13 =	sadd.s32 $0x8000, s9  }
0x12: {  	s14 =	sadd.s32 $0xC000, s9;
	s15 =	sadd.s32 $0x10000, s9;
	s16 =	sadd.s32 $0x800, s16  }
0x13: {  	v0 =	vimm.f32 $0.0e+00;
	s10 =	sadd.s32 s10, s11;
	s11 =	smax.u32 s12, $0x1;
	s12 =	sadd.s32 $0x4000, s9  }
.LBB2_1:
0x14: {  	[tilespmem:s4], [sflag:$0x5] =	stream.linear.gather [hbm4b:s7+s4], $0x800, $0x38;
	[tilespmem:$0x1E000] =	vst v63  }
0x15: {  	_ =	swait.ge [sflag:s17], $0x800  }
0x16: {  	[sflag:s17] =	ssyncset.done $0x0  }
0x17: {  	[sflag:s17] =	ssyncadd.s32 $0xFFFFF800  }
0x18: {  	[tilespmem:s18], [sflag:$0x5] =	stream.linear.gather [hbm4b:s8+s4], $0x800, $0x38;
	[tilespmem:$0x1E000] =	vst v63  }
0x19: {  	s26 =	sand.u32 $0xFE00, s4;
	s28 =	sand.u32 $0x70, s4;
	_ =	swait.ge [sflag:s17], $0x800  }
0x1a: {  	s29 =	sshrl.u32 s26, $0x2;
	s26 =	simm.s32 $0x40;
	[sflag:s17] =	ssyncset.done $0x0  }
0x1b: {  	s29 =	sor.u32 s28, s29;
	s28 =	simm.s32 $0x0;
	[sflag:s17] =	ssyncadd.s32 $0xFFFFF800  }
.LBB2_2:
0x1c: {  	p0 =	sne.s32 s26, $0xFFC0  }
0x1d: {  	[tilespmem:s29+$0x2000] =	vst v0;
	s28 =	sadd.s32 $0x10, s28;
	s29 =	smov.u32 s26;
	s26 =	sadd.s32 $0x40, s26  }
.Ltmp0:
0x1e: {  	(pc) =	sbr.rel @p0 .LBB2_2-.Ltmp0, $4  }
0x1f: {  	_ = 	snop  }
0x20: {  	s29 =	sand.u32 $0xFE00, s29  }
0x21: {  	s30 =	sand.u32 $0x70, s28;
	s29 =	sshrl.u32 s29, $0x2  }
0x22: {  	s29 =	sor.u32 s30, s29  }
0x23: {  	[tilespmem:s29+$0x2000] =	vst v0  }
0x24: {  	[spmem:s9] =	stream.linear.scatter [tilespmem:s19], [sflag:$0x5], $0x4000, $0x38;
	[tilespmem:$0x1E000] =	vst v63  }
0x25: {  	_ =	swait.ge [sflag:s17], $0x4000  }
0x26: {  	[sflag:s17] =	ssyncset.done $0x0  }
0x27: {  	[sflag:s17] =	ssyncadd.s32 $0xFFFFC000  }
0x28: {  	[spmem:s12] =	stream.linear.scatter [tilespmem:s19], [sflag:$0x5], $0x4000, $0x38;
	[tilespmem:$0x1E000] =	vst v63  }
0x29: {  	_ =	swait.ge [sflag:s17], $0x4000  }
0x2a: {  	[sflag:s17] =	ssyncset.done $0x0  }
0x2b: {  	[sflag:s17] =	ssyncadd.s32 $0xFFFFC000  }
0x2c: {  	[spmem:s13] =	stream.linear.scatter [tilespmem:s19], [sflag:$0x5], $0x4000, $0x38;
	[tilespmem:$0x1E000] =	vst v63  }
0x2d: {  	_ =	swait.ge [sflag:s17], $0x4000  }
0x2e: {  	[sflag:s17] =	ssyncset.done $0x0  }
0x2f: {  	[sflag:s17] =	ssyncadd.s32 $0xFFFFC000  }
0x30: {  	[spmem:s14] =	stream.linear.scatter [tilespmem:s19], [sflag:$0x5], $0x4000, $0x38;
	[tilespmem:$0x1E000] =	vst v63  }
0x31: {  	_ =	swait.ge [sflag:s17], $0x4000  }
0x32: {  	[sflag:s17] =	ssyncset.done $0x0  }
0x33: {  	[sflag:s17] =	ssyncadd.s32 $0xFFFFC000  }
0x34: {  	[spmem:s15] =	stream.linear.scatter [tilespmem:s19], [sflag:$0x5], $0x4000, $0x38;
	[tilespmem:$0x1E000] =	vst v63  }
0x35: {  	_ =	swait.ge [sflag:s17], $0x4000  }
0x36: {  	[sflag:s17] =	ssyncset.done $0x0  }
0x37: {  	[sflag:s17] =	ssyncadd.s32 $0xFFFFC000  }
0x38: {  	s26 =	simm.s32 $0x0;
	[bflag:$0x0] =	sbarrier.arrive $0xFFFF  }
.LBB2_4:
0x39: {  	p0 =	seq.s32 s26, $0x2000  }
0x3a: {  	s28 =	sadd.s32 @!p0 s26, s16  }
0x3b: {  	s29 =	sxor.u32 @!p0 $0xFFFFFFFF, s26;
	s28 =	sshrl.u32 @!p0 s28, $0x3  }
0x3c: {  	s31 =	simm.s32 @!p0 $0x0;
	s29 =	sand.u32 @!p0 $0x800, s29;
	s30 =	sadd.s32 @!p0 s5, s28  }
0x3d: {  	[tilespmem:s29], [sflag:$0x1] =	stream.linear.gather @!p0 [hbm4b:s30+s31], $0x800, $0x38;
	[tilespmem:$0x1E000] =	vst v63  }
0x3e: {  	s28 =	sadd.s32 @!p0 s6, s28;
	s29 =	sor.u32 @!p0 $0x1000, s29  }
0x3f: {  	[tilespmem:s29], [sflag:$0x1] =	stream.linear.gather @!p0 [hbm4b:s28+s31], $0x800, $0x38;
	[tilespmem:$0x1E000] =	vst v63  }
0x40: {  	s28 =	sand.u32 $0x800, s26  }
0x41: {  	[tilespmem:s19], [sflag:$0x2] =	stream.indirect.gather [hbm4b:s1+s20], $0x80, s28, s20, $0xb8;
	[tilespmem:$0x1E000] =	vst v63  }
0x42: {  	s30 =	sor.u32 $0x80, s28  }
0x43: {  	[tilespmem:s21], [sflag:$0x3] =	stream.indirect.gather [hbm4b:s1+s20], $0x80, s30, s20, $0xb8;
	[tilespmem:$0x1E000] =	vst v63  }
0x44: {  	_ =	swait.ge [sflag:s22], $0x4000  }
0x45: {  	[sflag:s22] =	ssyncset.done $0x0  }
0x46: {  	s31 =	sor.u32 $0x1000, s28;
	[sflag:s22] =	ssyncadd.s32 $0xFFFFC000  }
0x47: {  	[spmem:s3] =	stream.indirect.scatter.add.f32 [tilespmem:s19], [sflag:$0x4], $0x80, s31, s20, $0xb8;
	[tilespmem:$0x1E000] =	vst v63  }
0x48: {  	_ =	swait.ge [sflag:s23], $0x4000  }
0x49: {  	[sflag:s23] =	ssyncset.done $0x0  }
0x4a: {  	s30 =	sor.u32 $0x100, s28;
	[sflag:s23] =	ssyncadd.s32 $0xFFFFC000  }
0x4b: {  	[tilespmem:s19], [sflag:$0x2] =	stream.indirect.gather [hbm4b:s1+s20], $0x80, s30, s20, $0xb8;
	[tilespmem:$0x1E000] =	vst v63  }
0x4c: {  	_ =	swait.ge [sflag:s24], $0x4000  }
0x4d: {  	[sflag:s24] =	ssyncset.done $0x0  }
0x4e: {  	s31 =	sor.u32 $0x1080, s28;
	[sflag:s24] =	ssyncadd.s32 $0xFFFFC000  }
0x4f: {  	[spmem:s3] =	stream.indirect.scatter.add.f32 [tilespmem:s21], [sflag:$0x4], $0x80, s31, s20, $0xb8;
	[tilespmem:$0x1E000] =	vst v63  }
0x50: {  	_ =	swait.ge [sflag:s23], $0x4000  }
0x51: {  	[sflag:s23] =	ssyncset.done $0x0  }
0x52: {  	s30 =	sor.u32 $0x180, s28;
	[sflag:s23] =	ssyncadd.s32 $0xFFFFC000  }
0x53: {  	[tilespmem:s21], [sflag:$0x3] =	stream.indirect.gather [hbm4b:s1+s20], $0x80, s30, s20, $0xb8;
	[tilespmem:$0x1E000] =	vst v63  }
0x54: {  	_ =	swait.ge [sflag:s22], $0x4000  }
0x55: {  	[sflag:s22] =	ssyncset.done $0x0  }
0x56: {  	s31 =	sor.u32 $0x1100, s28;
	[sflag:s22] =	ssyncadd.s32 $0xFFFFC000  }
0x57: {  	[spmem:s3] =	stream.indirect.scatter.add.f32 [tilespmem:s19], [sflag:$0x4], $0x80, s31, s20, $0xb8;
	[tilespmem:$0x1E000] =	vst v63  }
0x58: {  	_ =	swait.ge [sflag:s23], $0x4000  }
0x59: {  	[sflag:s23] =	ssyncset.done $0x0  }
0x5a: {  	s30 =	sor.u32 $0x200, s28;
	[sflag:s23] =	ssyncadd.s32 $0xFFFFC000  }
0x5b: {  	[tilespmem:s19], [sflag:$0x2] =	stream.indirect.gather [hbm4b:s1+s20], $0x80, s30, s20, $0xb8;
	[tilespmem:$0x1E000] =	vst v63  }
0x5c: {  	_ =	swait.ge [sflag:s24], $0x4000  }
0x5d: {  	[sflag:s24] =	ssyncset.done $0x0  }
0x5e: {  	s31 =	sor.u32 $0x1180, s28;
	[sflag:s24] =	ssyncadd.s32 $0xFFFFC000  }
0x5f: {  	[spmem:s3] =	stream.indirect.scatter.add.f32 [tilespmem:s21], [sflag:$0x4], $0x80, s31, s20, $0xb8;
	[tilespmem:$0x1E000] =	vst v63  }
0x60: {  	_ =	swait.ge [sflag:s23], $0x4000  }
0x61: {  	[sflag:s23] =	ssyncset.done $0x0  }
0x62: {  	s30 =	sor.u32 $0x280, s28;
	[sflag:s23] =	ssyncadd.s32 $0xFFFFC000  }
0x63: {  	[tilespmem:s21], [sflag:$0x3] =	stream.indirect.gather [hbm4b:s1+s20], $0x80, s30, s20, $0xb8;
	[tilespmem:$0x1E000] =	vst v63  }
0x64: {  	_ =	swait.ge [sflag:s22], $0x4000  }
0x65: {  	[sflag:s22] =	ssyncset.done $0x0  }
0x66: {  	s31 =	sor.u32 $0x1200, s28;
	[sflag:s22] =	ssyncadd.s32 $0xFFFFC000  }
0x67: {  	[spmem:s3] =	stream.indirect.scatter.add.f32 [tilespmem:s19], [sflag:$0x4], $0x80, s31, s20, $0xb8;
	[tilespmem:$0x1E000] =	vst v63  }
0x68: {  	_ =	swait.ge [sflag:s23], $0x4000  }
0x69: {  	[sflag:s23] =	ssyncset.done $0x0  }
0x6a: {  	s30 =	sor.u32 $0x300, s28;
	[sflag:s23] =	ssyncadd.s32 $0xFFFFC000  }
0x6b: {  	[tilespmem:s19], [sflag:$0x2] =	stream.indirect.gather [hbm4b:s1+s20], $0x80, s30, s20, $0xb8;
	[tilespmem:$0x1E000] =	vst v63  }
0x6c: {  	_ =	swait.ge [sflag:s24], $0x4000  }
0x6d: {  	[sflag:s24] =	ssyncset.done $0x0  }
0x6e: {  	s31 =	sor.u32 $0x1280, s28;
	[sflag:s24] =	ssyncadd.s32 $0xFFFFC000  }
0x6f: {  	[spmem:s3] =	stream.indirect.scatter.add.f32 [tilespmem:s21], [sflag:$0x4], $0x80, s31, s20, $0xb8;
	[tilespmem:$0x1E000] =	vst v63  }
0x70: {  	_ =	swait.ge [sflag:s23], $0x4000  }
0x71: {  	[sflag:s23] =	ssyncset.done $0x0  }
0x72: {  	s30 =	sor.u32 $0x380, s28;
	[sflag:s23] =	ssyncadd.s32 $0xFFFFC000  }
0x73: {  	[tilespmem:s21], [sflag:$0x3] =	stream.indirect.gather [hbm4b:s1+s20], $0x80, s30, s20, $0xb8;
	[tilespmem:$0x1E000] =	vst v63  }
0x74: {  	_ =	swait.ge [sflag:s22], $0x4000  }
0x75: {  	[sflag:s22] =	ssyncset.done $0x0  }
0x76: {  	s31 =	sor.u32 $0x1300, s28;
	[sflag:s22] =	ssyncadd.s32 $0xFFFFC000  }
0x77: {  	[spmem:s3] =	stream.indirect.scatter.add.f32 [tilespmem:s19], [sflag:$0x4], $0x80, s31, s20, $0xb8;
	[tilespmem:$0x1E000] =	vst v63  }
0x78: {  	_ =	swait.ge [sflag:s23], $0x4000  }
0x79: {  	[sflag:s23] =	ssyncset.done $0x0  }
0x7a: {  	s30 =	sor.u32 $0x400, s28;
	[sflag:s23] =	ssyncadd.s32 $0xFFFFC000  }
0x7b: {  	[tilespmem:s19], [sflag:$0x2] =	stream.indirect.gather [hbm4b:s1+s20], $0x80, s30, s20, $0xb8;
	[tilespmem:$0x1E000] =	vst v63  }
0x7c: {  	_ =	swait.ge [sflag:s24], $0x4000  }
0x7d: {  	[sflag:s24] =	ssyncset.done $0x0  }
0x7e: {  	s31 =	sor.u32 $0x1380, s28;
	[sflag:s24] =	ssyncadd.s32 $0xFFFFC000  }
0x7f: {  	[spmem:s3] =	stream.indirect.scatter.add.f32 [tilespmem:s21], [sflag:$0x4], $0x80, s31, s20, $0xb8;
	[tilespmem:$0x1E000] =	vst v63  }
0x80: {  	_ =	swait.ge [sflag:s23], $0x4000  }
0x81: {  	[sflag:s23] =	ssyncset.done $0x0  }
0x82: {  	s30 =	sor.u32 $0x480, s28;
	[sflag:s23] =	ssyncadd.s32 $0xFFFFC000  }
0x83: {  	[tilespmem:s21], [sflag:$0x3] =	stream.indirect.gather [hbm4b:s1+s20], $0x80, s30, s20, $0xb8;
	[tilespmem:$0x1E000] =	vst v63  }
0x84: {  	_ =	swait.ge [sflag:s22], $0x4000  }
0x85: {  	[sflag:s22] =	ssyncset.done $0x0  }
0x86: {  	s31 =	sor.u32 $0x1400, s28;
	[sflag:s22] =	ssyncadd.s32 $0xFFFFC000  }
0x87: {  	[spmem:s3] =	stream.indirect.scatter.add.f32 [tilespmem:s19], [sflag:$0x4], $0x80, s31, s20, $0xb8;
	[tilespmem:$0x1E000] =	vst v63  }
0x88: {  	_ =	swait.ge [sflag:s23], $0x4000  }
0x89: {  	[sflag:s23] =	ssyncset.done $0x0  }
0x8a: {  	s30 =	sor.u32 $0x500, s28;
	[sflag:s23] =	ssyncadd.s32 $0xFFFFC000  }
0x8b: {  	[tilespmem:s19], [sflag:$0x2] =	stream.indirect.gather [hbm4b:s1+s20], $0x80, s30, s20, $0xb8;
	[tilespmem:$0x1E000] =	vst v63  }
0x8c: {  	_ =	swait.ge [sflag:s24], $0x4000  }
0x8d: {  	[sflag:s24] =	ssyncset.done $0x0  }
0x8e: {  	s31 =	sor.u32 $0x1480, s28;
	[sflag:s24] =	ssyncadd.s32 $0xFFFFC000  }
0x8f: {  	[spmem:s3] =	stream.indirect.scatter.add.f32 [tilespmem:s21], [sflag:$0x4], $0x80, s31, s20, $0xb8;
	[tilespmem:$0x1E000] =	vst v63  }
0x90: {  	_ =	swait.ge [sflag:s23], $0x4000  }
0x91: {  	[sflag:s23] =	ssyncset.done $0x0  }
0x92: {  	s30 =	sor.u32 $0x580, s28;
	[sflag:s23] =	ssyncadd.s32 $0xFFFFC000  }
0x93: {  	[tilespmem:s21], [sflag:$0x3] =	stream.indirect.gather [hbm4b:s1+s20], $0x80, s30, s20, $0xb8;
	[tilespmem:$0x1E000] =	vst v63  }
0x94: {  	_ =	swait.ge [sflag:s22], $0x4000  }
0x95: {  	[sflag:s22] =	ssyncset.done $0x0  }
0x96: {  	s31 =	sor.u32 $0x1500, s28;
	[sflag:s22] =	ssyncadd.s32 $0xFFFFC000  }
0x97: {  	[spmem:s3] =	stream.indirect.scatter.add.f32 [tilespmem:s19], [sflag:$0x4], $0x80, s31, s20, $0xb8;
	[tilespmem:$0x1E000] =	vst v63  }
0x98: {  	_ =	swait.ge [sflag:s23], $0x4000  }
0x99: {  	[sflag:s23] =	ssyncset.done $0x0  }
0x9a: {  	s30 =	sor.u32 $0x600, s28;
	[sflag:s23] =	ssyncadd.s32 $0xFFFFC000  }
0x9b: {  	[tilespmem:s19], [sflag:$0x2] =	stream.indirect.gather [hbm4b:s1+s20], $0x80, s30, s20, $0xb8;
	[tilespmem:$0x1E000] =	vst v63  }
0x9c: {  	_ =	swait.ge [sflag:s24], $0x4000  }
0x9d: {  	[sflag:s24] =	ssyncset.done $0x0  }
0x9e: {  	s31 =	sor.u32 $0x1580, s28;
	[sflag:s24] =	ssyncadd.s32 $0xFFFFC000  }
0x9f: {  	[spmem:s3] =	stream.indirect.scatter.add.f32 [tilespmem:s21], [sflag:$0x4], $0x80, s31, s20, $0xb8;
	[tilespmem:$0x1E000] =	vst v63  }
0xa0: {  	_ =	swait.ge [sflag:s23], $0x4000  }
0xa1: {  	[sflag:s23] =	ssyncset.done $0x0  }
0xa2: {  	s30 =	sor.u32 $0x680, s28;
	[sflag:s23] =	ssyncadd.s32 $0xFFFFC000  }
0xa3: {  	[tilespmem:s21], [sflag:$0x3] =	stream.indirect.gather [hbm4b:s1+s20], $0x80, s30, s20, $0xb8;
	[tilespmem:$0x1E000] =	vst v63  }
0xa4: {  	_ =	swait.ge [sflag:s22], $0x4000  }
0xa5: {  	[sflag:s22] =	ssyncset.done $0x0  }
0xa6: {  	s31 =	sor.u32 $0x1600, s28;
	[sflag:s22] =	ssyncadd.s32 $0xFFFFC000  }
0xa7: {  	[spmem:s3] =	stream.indirect.scatter.add.f32 [tilespmem:s19], [sflag:$0x4], $0x80, s31, s20, $0xb8;
	[tilespmem:$0x1E000] =	vst v63  }
0xa8: {  	_ =	swait.ge [sflag:s23], $0x4000  }
0xa9: {  	[sflag:s23] =	ssyncset.done $0x0  }
0xaa: {  	s30 =	sor.u32 $0x700, s28;
	[sflag:s23] =	ssyncadd.s32 $0xFFFFC000  }
0xab: {  	[tilespmem:s19], [sflag:$0x2] =	stream.indirect.gather [hbm4b:s1+s20], $0x80, s30, s20, $0xb8;
	[tilespmem:$0x1E000] =	vst v63  }
0xac: {  	_ =	swait.ge [sflag:s24], $0x4000  }
0xad: {  	[sflag:s24] =	ssyncset.done $0x0  }
0xae: {  	s31 =	sor.u32 $0x1680, s28;
	[sflag:s24] =	ssyncadd.s32 $0xFFFFC000  }
0xaf: {  	[spmem:s3] =	stream.indirect.scatter.add.f32 [tilespmem:s21], [sflag:$0x4], $0x80, s31, s20, $0xb8;
	[tilespmem:$0x1E000] =	vst v63  }
0xb0: {  	_ =	swait.ge [sflag:s23], $0x4000  }
0xb1: {  	[sflag:s23] =	ssyncset.done $0x0  }
0xb2: {  	s30 =	sor.u32 $0x780, s28;
	[sflag:s23] =	ssyncadd.s32 $0xFFFFC000  }
0xb3: {  	[tilespmem:s21], [sflag:$0x3] =	stream.indirect.gather [hbm4b:s1+s20], $0x80, s30, s20, $0xb8;
	[tilespmem:$0x1E000] =	vst v63  }
0xb4: {  	_ =	swait.ge [sflag:s22], $0x4000  }
0xb5: {  	[sflag:s22] =	ssyncset.done $0x0  }
0xb6: {  	s31 =	sor.u32 $0x1700, s28;
	[sflag:s22] =	ssyncadd.s32 $0xFFFFC000  }
0xb7: {  	[spmem:s3] =	stream.indirect.scatter.add.f32 [tilespmem:s19], [sflag:$0x4], $0x80, s31, s20, $0xb8;
	[tilespmem:$0x1E000] =	vst v63  }
0xb8: {  	_ =	swait.ge [sflag:s23], $0x4000  }
0xb9: {  	[sflag:s23] =	ssyncset.done $0x0  }
0xba: {  	[sflag:s23] =	ssyncadd.s32 $0xFFFFC000  }
0xbb: {  	_ =	swait.ge [sflag:s24], $0x4000  }
0xbc: {  	[sflag:s24] =	ssyncset.done $0x0  }
0xbd: {  	s28 =	sor.u32 $0x1780, s28;
	[sflag:s24] =	ssyncadd.s32 $0xFFFFC000  }
0xbe: {  	[spmem:s3] =	stream.indirect.scatter.add.f32 [tilespmem:s21], [sflag:$0x4], $0x80, s28, s20, $0xb8;
	[tilespmem:$0x1E000] =	vst v63  }
0xbf: {  	_ =	swait.ge [sflag:s23], $0x4000  }
0xc0: {  	s26 =	sadd.s32 @!p0 $0x800, s26;
	[sflag:s23] =	ssyncset.done $0x0  }
0xc1: {  	p1 =	sne.s32 @!p0 s26, $0x2800;
	s28 =	simm.s32 @!p0 $0x1;
	[sflag:s23] =	ssyncadd.s32 $0xFFFFC000  }
0xc2: {  	p1 =	por p0, !p1;
	_ =	swait.ge @!p0 [sflag:s28], $0x800  }
.Ltmp1:
0xc3: {  	[sflag:s28] =	ssyncset.done @!p0 $0x0;
	(pc) =	sbr.rel @!p1 .LBB2_4-.Ltmp1, $4  }
0xc4: {  	[sflag:s28] =	ssyncadd.s32 @!p0 $0xFFFFF800  }
0xc5: {  	_ =	swait.ge @!p0 [sflag:s28], $0x800  }
0xc6: {  	[sflag:s28] =	ssyncset.done @!p0 $0x0  }
0xc7: {  	[sflag:s28] =	ssyncadd.s32 @!p0 $0xFFFFF800  }
0xc8: {  	s25 =	sadd.s32 $0x1, s25  }
0xc9: {  	s26 =	sshll.u32 s2, $0x6;
	[bflag:$0x0] =	sbarrier.arrive $0xFFFF;
	p0 =	sne.s32 s25, s11  }
.Ltmp2:
0xca: {  	s28 =	sshrl.u32 s9, $0x3;
	s26 =	sor.u32 $0x1C05, s26;
	(pc) =	sbr.rel @p0 .LBB2_1-.Ltmp2, $4  }
0xcb: {  	[hbm:s10], [sflag:s26] =	dma.local [spmem:s28], $0x2800  }
0xcc: {  	_ =	swait.ge [sflag:s17], $0x2800  }
0xcd: {  	[sflag:s17] =	ssyncset.done $0x0  }
0xce: {  	[sflag:s17] =	ssyncadd.s32 $0xFFFFD800  }
0xcf: {  	_ =	sfence.sel $0x180000  }
0xd0: {  	[bflag:$0x0] =	sbarrier.arrive $0xFFFF  }
0xd1: {  	p0 =	sne.s32 s2, $0x0;
	_ =	strace $0x9000004A  }
0xd2: {  	s0 =	sadd.s32 @!p0 $0x100000, s0;
	[bflag:$0x2] =	sbarrier.arrive $0xFFFF  }
0xd3: {  	[sflag:s0] =	ssyncadd.tile.s32 @!p0 $0x1;
	_ =	shalt  }
.Lfunc_end2:
_tile_overlayer_lowered:
.L_overlay_start_2:
0xd4: {  	(tag) =	ssettag $0x2  }
0xd5: {  	s0 =	rddreg [dreg:$0x0];
	s2 =	stileid.u32  }
0xd6: {  	s1 =	rddreg [dreg:$0x1];
	p0 =	sne.s32 s2, $0x0  }
0xd7: {  	s3 =	rddreg [dreg:$0x2];
	[bflag:$0x3] =	sbarrier.arrive $0xFFFF;
	s2 =	simm.s32 @!p0 $0x1C05  }
0xd8: {  	[timem:s3], [sflag:s2] =	dma.local @!p0 [hbm:s0], s1  }
0xd9: {  	s0 =	simm.s32 @!p0 $0x5  }
0xda: {  	_ =	swait.ge @!p0 [sflag:s0], s1  }
0xdb: {  	s1 =	ssub.s32 @!p0 $0x0, s1;
	[sflag:s0] =	ssyncset.done @!p0 $0x0  }
0xdc: {  	[sflag:s0] =	ssyncadd.s32 @!p0 s1  }
0xdd: {  	[bflag:$0x3] =	sbarrier.arrive $0xFFFF  }
0xde: {  	_ =	shalt  }

// kernel: kernel.9.cloned.1.call-start
scs
__scs_entry_jumppad:
0x0: {  	(pc) =	sbr.rel $0x88, $3  }
0x1: {  	(tag) =	ssettag $0x0;
	lr =	simm.s32 $0x1  }
0x2: {  	[smem:$0x3F8F] =	sst lr;
	_ =	strace $0xD0000000  }
0x3: {  	_ = 	snop  }
0x4: {  	_ = 	snop  }
0x5: {  	_ = 	snop  }
0x6: {  	_ = 	snop  }
0x7: {  	_ = 	snop  }
__scs_overlays_trampoline_lowered:
0x8: {  	[smem:$0x3F9E] =	sst s0  }
0x9: {  	[smem:$0x3F9F] =	sst s1  }
0xa: {  	[smem:$0x3FA0] =	sst s2  }
0xb: {  	[smem:$0x3FA1] =	sst s3  }
0xc: {  	[smem:$0x3FA2] =	sst s4  }
0xd: {  	[smem:$0x3FA3] =	sst s5  }
0xe: {  	[smem:$0x3FA4] =	sst s6  }
0xf: {  	[smem:$0x3FA5] =	sst s7  }
0x10: {  	[smem:$0x3FA6] =	sst s8  }
0x11: {  	[smem:$0x3FA7] =	sst s9;
	s0 =	simm.s32 @!p0 $0x0  }
0x12: {  	s1 =	sld [smem:$0x3F8D];
	s0 =	simm.s32 @p0 $0x1  }
0x13: {  	[smem:$0x3FA8] =	sst s0;
	s0 =	simm.s32 @!p1 $0x0  }
0x14: {  	s2 =	sld [smem:$0x3F8C];
	s0 =	simm.s32 @p1 $0x1  }
0x15: {  	[smem:$0x3FA9] =	sst s0;
	s0 =	simm.s32 @!p2 $0x0  }
0x16: {  	s3 =	sld [smem:$0x3FDB];
	s0 =	simm.s32 @p2 $0x1  }
0x17: {  	s4 =	simm.s32 $0x1BF5;
	[smem:$0x3FAB] =	sst s0  }
0x18: {  	s0 =	sld [smem:$0x3F8E];
	_ =	swait.ge [sflag:s4], $0x0  }
0x19: {  	s7 =	sld [smem:$0x3F8F]  }
0x1a: {  	s8 =	sadd.s32 $0xFFFFE003, lr  }
0x1b: {  	s9 =	sadd.s32 $0xFFFFFEF7, lr;
	s5 =	simm.s32 $0xFFFFFFFF;
	p2 =	slt.u32 s8, $0xFFFFF086  }
0x1c: {  	p1 =	slt.u32 s9, $0xF7A;
	s5 =	simm.s32 @!p2 $0x0  }
0x1d: {  	s5 =	simm.s32 @p1 $0x1;
	p0 =	seq.s32 s7, s2  }
0x1e: {  	s7 =	smul.u32 @!p0 $0xF7A, s2;
	p2 =	seq.s32 @!p0 s5, $0x0  }
0x1f: {  	s9 =	smul.u32 $0xF7A, s1;
	s8 =	simm.s32 @!p0 $0x1BF5;
	p2 =	por !p2, p0  }
0x20: {  	[sflag:s8] =	ssyncset.s32 @!p0 $0xFFFFF086;
	s6 =	sadd.s32 @!p0 s3, s7;
	s7 =	simm.s32 @!p0 $0x108  }
0x21: {  	s3 =	sadd.s32 s3, s9;
	s6 =	sadd.s32 @!p0 $0x88, s6;
	s7 =	simm.s32 @p2 $0x1082  }
0x22: {  	[simem:s7], [sflag:s8] =	dma.local @!p0 [hbm:s6], $0xF7A  }
0x23: {  	s9 =	sor.u32 $0xD0000000, s2;
	s6 =	simm.s32 $0x108;
	_ =	swait.ge @!p0 [sflag:s8], $0x0  }
0x24: {  	s3 =	sadd.s32 $0x88, s3;
	s6 =	simm.s32 @!p1 $0x1082;
	[sflag:s4] =	ssyncset.s32 $0xFFFFF086  }
0x25: {  	[simem:s6], [sflag:s4] =	dma.local [hbm:s3], $0xF7A  }
0x26: {  	[smem:$0x3F8F] =	sst s1;
	(tag) =	ssettag s2;
	_ =	strace s9  }
0x27: {  	s1 =	sld [smem:$0x3F9F]  }
0x28: {  	s2 =	sld [smem:$0x3FA0]  }
0x29: {  	s4 =	sld [smem:$0x3FA2]  }
0x2a: {  	p0 =	seq.s32 s5, $0x0;
	s5 =	sld [smem:$0x3FA3]  }
0x2b: {  	s6 =	sld [smem:$0x3FA4]  }
0x2c: {  	s7 =	sld [smem:$0x3FA5]  }
0x2d: {  	s3 =	simm.s32 $0x108;
	s8 =	sld [smem:$0x3FA6]  }
0x2e: {  	s3 =	simm.s32 @!p0 $0x1082;
	s9 =	sld [smem:$0x3FA7]  }
0x2f: {  	lr =	sadd.s32 s0, s3;
	s0 =	sld [smem:$0x3F9E]  }
0x30: {  	s3 =	sld [smem:$0x3FA1]  }
0x31: {  	[smem:$0x3FAA] =	sst s10  }
0x32: {  	s10 =	sld [smem:$0x3FA8];
	_ =	sdelay $0x3  }
0x33: {  	p0 =	seq.s32 s10, $0x1;
	s10 =	sld [smem:$0x3FAA];
	_ =	sdelay $0x3  }
0x34: {  	[smem:$0x3FAA] =	sst s10  }
0x35: {  	s10 =	sld [smem:$0x3FA9];
	_ =	sdelay $0x3  }
0x36: {  	p1 =	seq.s32 s10, $0x1;
	s10 =	sld [smem:$0x3FAA];
	_ =	sdelay $0x3  }
0x37: {  	[smem:$0x3FAA] =	sst s10  }
0x38: {  	s10 =	sld [smem:$0x3FAB]  }
0x39: {  	_ = 	snop;
	(pc) =	sbr.ind lr, $3  }
0x3a: {  	_ = 	snop  }
0x3b: {  	_ = 	snop  }
0x3c: {  	p2 =	seq.s32 s10, $0x1;
	s10 =	sld [smem:$0x3FAA]  }
0x3d: {  	_ =	shalt  }
0x3e: {  	_ =	shalt  }
0x3f: {  	_ =	shalt  }
0x40: {  	_ =	shalt  }
0x41: {  	_ =	shalt  }
0x42: {  	_ =	shalt  }
0x43: {  	_ =	shalt  }
0x44: {  	_ =	shalt  }
0x45: {  	_ =	shalt  }
0x46: {  	_ =	shalt  }
0x47: {  	_ =	shalt  }
0x48: {  	_ =	shalt  }
0x49: {  	_ =	shalt  }
0x4a: {  	_ =	shalt  }
0x4b: {  	_ =	shalt  }
0x4c: {  	_ =	shalt  }
0x4d: {  	_ =	shalt  }
0x4e: {  	_ =	shalt  }
0x4f: {  	_ =	shalt  }
0x50: {  	_ =	shalt  }
0x51: {  	_ =	shalt  }
0x52: {  	_ =	shalt  }
0x53: {  	_ =	shalt  }
0x54: {  	_ =	shalt  }
0x55: {  	_ =	shalt  }
0x56: {  	_ =	shalt  }
0x57: {  	_ =	shalt  }
0x58: {  	_ =	shalt  }
0x59: {  	_ =	shalt  }
0x5a: {  	_ =	shalt  }
0x5b: {  	_ =	shalt  }
0x5c: {  	_ =	shalt  }
0x5d: {  	_ =	shalt  }
0x5e: {  	_ =	shalt  }
0x5f: {  	_ =	shalt  }
0x60: {  	_ =	shalt  }
0x61: {  	_ =	shalt  }
0x62: {  	_ =	shalt  }
0x63: {  	_ =	shalt  }
0x64: {  	_ =	shalt  }
0x65: {  	_ =	shalt  }
0x66: {  	_ =	shalt  }
0x67: {  	_ =	shalt  }
0x68: {  	_ =	shalt  }
0x69: {  	_ =	shalt  }
0x6a: {  	_ =	shalt  }
0x6b: {  	_ =	shalt  }
0x6c: {  	_ =	shalt  }
0x6d: {  	_ =	shalt  }
0x6e: {  	_ =	shalt  }
0x6f: {  	_ =	shalt  }
0x70: {  	_ =	shalt  }
0x71: {  	_ =	shalt  }
0x72: {  	_ =	shalt  }
0x73: {  	_ =	shalt  }
0x74: {  	_ =	shalt  }
0x75: {  	_ =	shalt  }
0x76: {  	_ =	shalt  }
0x77: {  	_ =	shalt  }
0x78: {  	_ =	shalt  }
0x79: {  	_ =	shalt  }
0x7a: {  	_ =	shalt  }
0x7b: {  	_ =	shalt  }
0x7c: {  	_ =	shalt  }
0x7d: {  	_ =	shalt  }
0x7e: {  	_ =	shalt  }
0x7f: {  	_ =	shalt  }
0x80: {  	_ =	shalt  }
0x81: {  	_ =	shalt  }
0x82: {  	_ =	shalt  }
0x83: {  	_ =	shalt  }
0x84: {  	_ =	shalt  }
0x85: {  	_ =	shalt  }
0x86: {  	_ =	shalt  }
0x87: {  	_ =	shalt  }
.Lfunc_end0:
.L_simem_size_0:
called_computation_lowered:
.L_overlay_start_0:
0x88: {  	s2 =	sld [smem:$0x3FD9]  }
0x89: {  	s3 =	sld [smem:$0x3FFE];
	_ =	sdelay $0x1  }
0x8a: {  	s1 =	srdreg.scid  }
0x8b: {  	s0 =	sand.u32 $0x1, s1  }
0x8c: {  	s14 =	sshll.u32 s0, $0xA;
	s2 =	sadd.s32 s3, s2  }
0x8d: {  	s2 =	sadd.s32 s2, s14  }
0x8e: {  	[smem:$0x3FB6] =	sst s2  }
0x8f: {  	_ = 	snop  }
0x90: {  	s2 =	sld [smem:$0x3FD0];
	_ =	sdelay $0x2  }
0x91: {  	s15 =	simm.s32 $0xA;
	s4 =	simm.s32 $0x10  }
0x92: {  	[smem:s4], [sflag:s15] =	dma.local [hbm:s2], $0x1  }
0x93: {  	_ =	swait.eq [sflag:s15], $0x1  }
0x94: {  	[sflag:s15] =	ssyncset.done $0x0  }
0x95: {  	[sflag:s15] =	ssyncadd.s32 $0xFFFFFFFF  }
0x96: {  	s16 =	sld [smem:$0x10];
	(tm) =	ssettm $0x1  }
0x97: {  	s17 =	sld [smem:$0x3FFB];
	_ =	sdelay $0x3  }
0x98: {  	_ =	strace s17  }
0x99: {  	s3 =	sld [smem:$0x3FFC];
	_ =	sdelay $0x3  }
0x9a: {  	_ =	strace s3  }
0x9b: {  	s3 =	sld [smem:$0x3FFD];
	_ =	sdelay $0x3  }
0x9c: {  	_ =	strace s3  }
0x9d: {  	_ =	strace $0x8FFFFFFF  }
0x9e: {  	s18 =	sld [smem:$0x3FDB];
	_ =	sdelay $0x1  }
0x9f: {  	s19 =	simm.s32 $_scs_section_size  }
0xa0: {  	s5 =	simm.s32 $_size__tile_overlayer_lowered;
	s6 =	simm.s32 $_tile_overlayer_lowered  }
0xa1: {  	s22 =	simm.s32 $0x1BFF;
	s21 =	sshll.u32 s6, $0x1;
	s3 =	sadd.s32 s19, s18  }
0xa2: {  	s7 =	simm.s32 $0x0;
	s20 =	sshll.u32 s5, $0x1;
	s5 =	sadd.s32 s21, s3  }
0xa3: {  	[timem:s7], [sflag:s22] =	dma.local [hbm:s5], s20  }
0xa4: {  	_ =	swait.ge [sflag:s22], s20  }
0xa5: {  	s4 =	ssub.s32 $0x0, s20;
	[sflag:s22] =	ssyncset.done $0x0  }
0xa6: {  	[sflag:s22] =	ssyncadd.s32 s4;
	_ =	sdelay $0x1  }
0xa7: {  	s23 =	simm.s32 $0x1B8B  }
0xa8: {  	_ =	swait.ge [sflag:s23], $0x1  }
0xa9: {  	[sflag:s23] =	ssyncset.done $0x0  }
0xaa: {  	s25 =	simm.s32 $0x1B8E;
	s24 =	sld [smem:$0x3FFE];
	[sflag:s23] =	ssyncadd.s32 $0xFFFFFFFF  }
0xab: {  	s26 =	simm.s32 $execute0_lowered;
	[smem:$0x3FD2] =	sst s25  }
0xac: {  	s5 =	sshll.u32 s26, $0x1;
	_ =	strace $0x80000046;
	[dreg:$0x1] =	wrdreg $0xFFFFFFFF  }
0xad: {  	s28 =	simm.s32 $_size_execute0_lowered;
	s3 =	sadd.s32 s3, s5;
	[dreg:$0x0] =	wrdreg $0x0  }
0xae: {  	s5 =	sshll.u32 s28, $0x1;
	[dreg:$0x2] =	wrdreg s3  }
0xaf: {  	[dreg:$0x3] =	wrdreg s5  }
0xb0: {  	[dreg:$0x4] =	wrdreg $0xC0  }
0xb1: {  	_ =	task [dreg:s7], $0x5FFFF  }
0xb2: {  	[dreg:$0x1] =	wrdreg $0xFFFFFFFF  }
0xb3: {  	[dreg:$0x0] =	wrdreg $0x60  }
0xb4: {  	[dreg:$0x2] =	wrdreg s24  }
0xb5: {  	[dreg:$0x3] =	wrdreg s16  }
0xb6: {  	[dreg:$0x4] =	wrdreg $0x68000  }
0xb7: {  	[dreg:$0x5] =	wrdreg $0x9  }
0xb8: {  	_ =	task.clear_ibuf [dreg:s7], $0x6FFFF;
	_ =	strace $0x90000046  }
0xb9: {  	s29 =	simm.s32 $0x9;
	_ =	strace $0x80000048  }
0xba: {  	_ =	swait.ge [sflag:s29], $0x1  }
0xbb: {  	[sflag:s29] =	ssyncadd.s32 $0xFFFFFFFF  }
0xbc: {  	_ =	strace $0x90000048  }
0xbd: {  	_ =	sfence  }
0xbe: {  	s30 =	sld [smem:$0x0];
	_ =	sdelay $0x2  }
0xbf: {  	s31 =	sshll.u32 s1, $0xD;
	s1 =	sshrl.u32 s1, $0x2  }
0xc0: {  	s3 =	sand.u32 $0x4000, s31;
	s1 =	sadd.s32 s1, s30  }
0xc1: {  	s0 =	sor.u32 s3, s0;
	s1 =	sshll.u32 s1, $0x11  }
0xc2: {  	s0 =	sor.u32 s1, s0  }
0xc3: {  	s0 =	sadd.s32 $0x8F2B, s0  }
0xc4: {  	[sflag:s0] =	ssyncadd.remote.s32 $0x1  }
0xc5: {  	_ =	sfence.sel $0xFFFF  }
0xc6: {  	[dreg:$0x0] =	wrdreg $0xFFFFFFFF;
	(pc) =	sbr.abs _section_cstart, $3  }
0xc7: {  	[dreg:$0x1] =	wrdreg $0xFFFFFFFF  }
0xc8: {  	_ =	task.clear_ibuf [dreg:s7], $0x2FFFF;
	_ =	strace $0x9FFFFFFF  }
0xc9: {  	(tm) =	ssettm $0x7FFFFFFF  }
tec
execute0_lowered:
.L_overlay_start_1:
0x0: {  	(tag) =	ssettag $0x1  }
0x1: {  	s4 =	rddreg [dreg:$0x0]  }
0x2: {  	s1 =	srdreg.scid;
	s6 =	rddreg [dreg:$0x1]  }
0x3: {  	s0 =	stileid.u32;
	s2 =	rddreg [dreg:$0x2];
	s3 =	simm.s32 $0x0  }
0x4: {  	s12 =	simm.s32 $0x4000;
	s13 =	simm.s32 $0x2;
	s14 =	simm.s32 $0x80  }
0x5: {  	s15 =	simm.s32 $0x1;
	s18 =	simm.s32 $0x0;
	s5 =	sand.u32 $0x1, s1  }
0x6: {  	s28 =	sshll.u32 s0, $0x1;
	[smem:$0x7FF] =	sst s3;
	s9 =	smul.u32 $0x14000, s0  }
0x7: {  	s11 =	smul.u32 $0x50000, s0;
	s16 =	sshll.u32 s0, $0x6;
	s1 =	sor.u32 s5, s28  }
0x8: {  	s8 =	smul.u32 $0x140000, s5;
	s5 =	ssub.s32 $0x2, s5;
	s16 =	sor.u32 $0x1C02, s16  }
0x9: {  	s7 =	smul.u32 $0x500, s1;
	s1 =	rddreg [dreg:$0x3];
	s10 =	sshrl.u32 s5, $0x1  }
0xa: {  	_ =	strace $0x80000047;
	s31 =	sshrl.u32 s11, $0x2;
	s29 =	ssub.s32 s5, s10  }
0xb: {  	s30 =	sadd.s32 s9, s8;
	s5 =	sadd.s32 s31, s2;
	s4 =	sadd.s32 s7, s4  }
0xc: {  	s9 =	sshrl.u32 s30, $0x3;
	s7 =	smax.u32 s29, $0x1;
	s8 =	sadd.s32 $0x4000, s5  }
0xd: {  	s10 =	sadd.s32 $0xC000, s5;
	s11 =	sadd.s32 $0x10000, s5;
	s17 =	sshrl.u32 s5, $0x3  }
0xe: {  	v0 =	vimm.f32 $0.0e+00;
	v1 =	vimm.f32 $1.000000000e+00;
	s4 =	sadd.s32 $0x3A00, s4;
	s6 =	sadd.s32 s6, s9;
	s9 =	sadd.s32 $0x8000, s5  }
.LBB2_1:
0xf: {  	[tilespmem:s12], [sflag:$0x2] =	stream.linear.gather [hbm4b:s4+s3], $0x2800, $0x38;
	[tilespmem:$0x1A800] =	vst v63  }
0x10: {  	s19 =	sand.u32 $0xFE00, s3;
	s20 =	sand.u32 $0x70, s3;
	_ =	swait.ge [sflag:s13], $0x2800  }
0x11: {  	s21 =	sshrl.u32 s19, $0x2;
	s19 =	simm.s32 $0x40;
	[sflag:s13] =	ssyncset.done $0x0  }
0x12: {  	s21 =	sor.u32 s20, s21;
	s20 =	simm.s32 $0x0;
	[sflag:s13] =	ssyncadd.s32 $0xFFFFD800  }
.LBB2_2:
0x13: {  	p0 =	sne.s32 s19, $0xFFC0  }
0x14: {  	[tilespmem:s21+$0x0] =	vst v0;
	s20 =	sadd.s32 $0x10, s20;
	s21 =	smov.u32 s19;
	s19 =	sadd.s32 $0x40, s19  }
.Ltmp0:
0x15: {  	(pc) =	sbr.rel @p0 .LBB2_2-.Ltmp0, $4  }
0x16: {  	_ = 	snop  }
0x17: {  	s21 =	sand.u32 $0xFE00, s21  }
0x18: {  	s22 =	sand.u32 $0x70, s20;
	s21 =	sshrl.u32 s21, $0x2  }
0x19: {  	s21 =	sor.u32 s22, s21  }
0x1a: {  	[tilespmem:s21+$0x0] =	vst v0;
	s19 =	simm.s32 $0x0  }
0x1b: {  	[spmem:s5] =	stream.linear.scatter [tilespmem:s19], [sflag:$0x2], $0x4000, $0x38;
	[tilespmem:$0x1A800] =	vst v63  }
0x1c: {  	_ =	swait.ge [sflag:s13], $0x4000  }
0x1d: {  	[sflag:s13] =	ssyncset.done $0x0  }
0x1e: {  	[sflag:s13] =	ssyncadd.s32 $0xFFFFC000  }
0x1f: {  	[spmem:s8] =	stream.linear.scatter [tilespmem:s19], [sflag:$0x2], $0x4000, $0x38;
	[tilespmem:$0x1A800] =	vst v63  }
0x20: {  	_ =	swait.ge [sflag:s13], $0x4000  }
0x21: {  	[sflag:s13] =	ssyncset.done $0x0  }
0x22: {  	[sflag:s13] =	ssyncadd.s32 $0xFFFFC000  }
0x23: {  	[spmem:s9] =	stream.linear.scatter [tilespmem:s19], [sflag:$0x2], $0x4000, $0x38;
	[tilespmem:$0x1A800] =	vst v63  }
0x24: {  	_ =	swait.ge [sflag:s13], $0x4000  }
0x25: {  	[sflag:s13] =	ssyncset.done $0x0  }
0x26: {  	[sflag:s13] =	ssyncadd.s32 $0xFFFFC000  }
0x27: {  	[spmem:s10] =	stream.linear.scatter [tilespmem:s19], [sflag:$0x2], $0x4000, $0x38;
	[tilespmem:$0x1A800] =	vst v63  }
0x28: {  	_ =	swait.ge [sflag:s13], $0x4000  }
0x29: {  	[sflag:s13] =	ssyncset.done $0x0  }
0x2a: {  	[sflag:s13] =	ssyncadd.s32 $0xFFFFC000  }
0x2b: {  	[spmem:s11] =	stream.linear.scatter [tilespmem:s19], [sflag:$0x2], $0x4000, $0x38;
	[tilespmem:$0x1A800] =	vst v63  }
0x2c: {  	s20 =	sand.u32 $0xFE00, s19;
	_ =	swait.ge [sflag:s13], $0x4000  }
0x2d: {  	s31 =	sand.u32 $0x70, s19;
	s22 =	sshrl.u32 s20, $0x2;
	[sflag:s13] =	ssyncset.done $0x0  }
0x2e: {  	s20 =	simm.s32 $0x40;
	s21 =	sor.u32 s31, s22;
	[sflag:s13] =	ssyncadd.s32 $0xFFFFC000  }
.LBB2_4:
0x2f: {  	p0 =	sne.s32 s20, $0xFFC0  }
0x30: {  	[tilespmem:s21+$0x0] =	vst v1;
	s19 =	sadd.s32 $0x10, s19;
	s21 =	smov.u32 s20;
	s20 =	sadd.s32 $0x40, s20  }
.Ltmp1:
0x31: {  	(pc) =	sbr.rel @p0 .LBB2_4-.Ltmp1, $4  }
0x32: {  	_ = 	snop  }
0x33: {  	s21 =	sand.u32 $0xFE00, s21  }
0x34: {  	s22 =	sand.u32 $0x70, s19;
	s21 =	sshrl.u32 s21, $0x2  }
0x35: {  	s21 =	sor.u32 s22, s21  }
0x36: {  	[tilespmem:s21+$0x0] =	vst v1  }
0x37: {  	s19 =	simm.s32 $0x0;
	[bflag:$0x0] =	sbarrier.arrive $0xFFFF  }
.LBB2_6:
0x38: {  	p0 =	sne.s32 s19, $0x9E00  }
.Ltmp2:
0x39: {  	_ = 	snop;
	(pc) =	sbr.rel @p0 .LBB2_6-.Ltmp2, $4  }
0x3a: {  	_ = 	snop  }
0x3b: {  	s20 =	sshra.s32 s19, $0x2  }
0x3c: {  	s19 =	sadd.s32 $0x200, s19;
	s20 =	sadd.s32 $0x4000, s20  }
0x3d: {  	[spmem:s2] =	stream.indirect.scatter.add.f32 [tilespmem:s3], [sflag:$0x1], $0x80, s20, s14, $0xb8;
	[tilespmem:$0x1A800] =	vst v63  }
0x3e: {  	_ =	swait.ge [sflag:s15], $0x4000  }
0x3f: {  	s19 =	simm.s32 $0x4F;
	[sflag:s15] =	ssyncset.done $0x0  }
.LBB2_8:
0x40: {  	p0 =	sne.s32 s19, $0x1;
	s19 =	sadd.s32 $0xFFFFFFFF, s19;
	[sflag:s15] =	ssyncadd.s32 $0xFFFFC000  }
.Ltmp3:
0x41: {  	(pc) =	sbr.rel @p0 .LBB2_8-.Ltmp3, $3  }
0x42: {  	_ =	sdelay $0x1  }
0x43: {  	_ =	swait.ge [sflag:s15], $0x4000  }
0x44: {  	[sflag:s15] =	ssyncset.done $0x0  }
0x45: {  	s18 =	sadd.s32 $0x1, s18  }
0x46: {  	[sflag:s15] =	ssyncadd.s32 $0xFFFFC000;
	p0 =	sne.s32 s18, s7  }
.Ltmp4:
0x47: {  	[bflag:$0x0] =	sbarrier.arrive $0xFFFF;
	(pc) =	sbr.rel @p0 .LBB2_1-.Ltmp4, $4  }
0x48: {  	[hbm:s6], [sflag:s16] =	dma.local [spmem:s17], $0x2800  }
0x49: {  	_ =	swait.ge [sflag:s13], $0x2800  }
0x4a: {  	[sflag:s13] =	ssyncset.done $0x0  }
0x4b: {  	[sflag:s13] =	ssyncadd.s32 $0xFFFFD800  }
0x4c: {  	_ =	sfence.sel $0x180000  }
0x4d: {  	[bflag:$0x0] =	sbarrier.arrive $0xFFFF  }
0x4e: {  	p0 =	sne.s32 s0, $0x0;
	_ =	strace $0x90000047  }
0x4f: {  	s0 =	sadd.s32 @!p0 $0x100000, s1;
	[bflag:$0x2] =	sbarrier.arrive $0xFFFF  }
0x50: {  	[sflag:s0] =	ssyncadd.tile.s32 @!p0 $0x1;
	_ =	shalt  }
.Lfunc_end2:
_tile_overlayer_lowered:
.L_overlay_start_2:
0x51: {  	(tag) =	ssettag $0x2  }
0x52: {  	s0 =	rddreg [dreg:$0x0];
	s2 =	stileid.u32  }
0x53: {  	s1 =	rddreg [dreg:$0x1];
	p0 =	sne.s32 s2, $0x0  }
0x54: {  	s3 =	rddreg [dreg:$0x2];
	[bflag:$0x3] =	sbarrier.arrive $0xFFFF;
	s2 =	simm.s32 @!p0 $0x1C02  }
0x55: {  	[timem:s3], [sflag:s2] =	dma.local @!p0 [hbm:s0], s1  }
0x56: {  	s0 =	simm.s32 @!p0 $0x2  }
0x57: {  	_ =	swait.ge @!p0 [sflag:s0], s1  }
0x58: {  	s1 =	ssub.s32 @!p0 $0x0, s1;
	[sflag:s0] =	ssyncset.done @!p0 $0x0  }
0x59: {  	[sflag:s0] =	ssyncadd.s32 @!p0 s1  }
0x5a: {  	[bflag:$0x3] =	sbarrier.arrive $0xFFFF  }
0x5b: {  	_ =	shalt  }

</sc_bundles>
